<compile_context>
chip_gen: v7x
topology: tpu7x:2x2x1
jax: 0.10.2.dev20260603
libtpu: 0.0.44.dev20260713+nightly
codegen_flags: <defaults>
</compile_context>

<pallas_src>
import jax
import jax.numpy as jnp
from jax import lax
from jax.experimental import pallas as pl
from jax.experimental.pallas import tpu as pltpu
from jax.experimental.pallas import tpu_sc as plsc

B = 32768
BLK = 4096
NE = 4
D = 64
NIN = 17

NC = 2
NS = 16
NW = NC * NS
TOK = B // NW
LANES = 16
CH = TOK // LANES


def _first_eq_rows(rows, m):
    e = [jnp.where(r == m, 1.0, 0.0) for r in rows]
    f0 = e[0]
    f1 = e[1] * (1.0 - f0)
    f2 = e[2] * (1.0 - f0) * (1.0 - e[1])
    f3 = e[3] * (1.0 - f0) * (1.0 - e[1]) * (1.0 - e[2])
    return [f0, f1, f2, f3]


def _top2(w):
    m1 = jnp.maximum(jnp.maximum(w[0], w[1]), jnp.maximum(w[2], w[3]))
    f1 = _first_eq_rows(w, m1)
    neg = jnp.float32(-jnp.inf)
    wm = [jnp.where(f1[k] > 0.5, neg, w[k]) for k in range(NE)]
    m2 = jnp.maximum(jnp.maximum(wm[0], wm[1]), jnp.maximum(wm[2], wm[3]))
    f2 = _first_eq_rows(wm, m2)
    return [jnp.minimum(f1[k] + f2[k], 1.0) for k in range(NE)]



def _sc_router_body(xin_hbm, wr_hbm, br_hbm, w_hbm, xv, wrv, brv, wv):
    wid = lax.axis_index("s") * NC + lax.axis_index("c")
    pltpu.sync_copy(xin_hbm.at[wid], xv)
    pltpu.sync_copy(wr_hbm, wrv)
    pltpu.sync_copy(br_hbm, brv)

    def chunk(c, carry):
        sl = pl.ds(c * LANES, LANES)
        xs = [xv[k, sl] for k in range(NIN)]
        logits = []
        for e in range(NE):
            acc = brv[e, :]
            for k in range(NIN):
                acc = acc + xs[k] * wrv[e, k, :]
            logits.append(acc)
        m = jnp.maximum(jnp.maximum(logits[0], logits[1]),
                        jnp.maximum(logits[2], logits[3]))
        ex = [jnp.exp(l - m) for l in logits]
        s = ex[0] + ex[1] + ex[2] + ex[3]
        for e in range(NE):
            wv[e, sl] = ex[e] / s
        return carry

    lax.fori_loop(0, CH, chunk, 0)
    pltpu.sync_copy(wv, w_hbm.at[wid])


def _make_sc_router():
    return pl.kernel(
        _sc_router_body,
        out_type=jax.ShapeDtypeStruct((NW, NE, TOK), jnp.float32),
        mesh=plsc.VectorSubcoreMesh(core_axis_name="c", subcore_axis_name="s",
                                    num_cores=NC, num_subcores=NS),
        scratch_types=[
            pltpu.VMEM((NIN, TOK), jnp.float32),
            pltpu.VMEM((NE, NIN, LANES), jnp.float32),
            pltpu.VMEM((NE, LANES), jnp.float32),
            pltpu.VMEM((NE, TOK), jnp.float32),
        ],
    )



def _tc_body(t_ref, auxt_ref, wrt_ref, brc_ref, wblk_ref, emb_ref, mask_ref):
    t = t_ref[...]
    auxt = auxt_ref[...]

    rin = jnp.concatenate([t, auxt], axis=0)
    logits = jnp.dot(wrt_ref[...], rin,
                     preferred_element_type=jnp.float32)
    logits = logits + brc_ref[...]
    m = jnp.max(logits, axis=0, keepdims=True)
    e = jnp.exp(logits - m)
    s = jnp.sum(e, axis=0, keepdims=True)
    w = e / s

    wr = [w[k:k + 1] for k in range(NE)]
    sel = _top2(wr)
    disp = jnp.concatenate([wr[k] * sel[k] for k in range(NE)], axis=0)
    mask_ref[...] = jnp.concatenate(sel, axis=0)

    i8 = jax.lax.broadcasted_iota(jnp.int32, (8, 1), 0).astype(jnp.float32)
    i16 = jax.lax.broadcasted_iota(jnp.int32, (16, 1), 0).astype(jnp.float32)
    u = (i8 + 1.0) * t
    four = jnp.concatenate([jnp.sin(u), jnp.cos(u)], axis=0)

    grid = i16 * (1.0 / 15.0)
    us = (t - grid) * 8.0
    bsp = jnp.maximum(1.0 - jnp.abs(us), 0.0)
    spl = bsp * bsp * bsp

    dg = t - grid
    rk = jnp.exp(-10.0 * dg * dg)

    quo = jnp.floor(i16 * 0.25)
    tr_col = (i16 - 4.0 * quo) * (1.0 / 3.0)
    inv_sc = jnp.exp2(1.0 - quo)
    uw = (t - tr_col) * inv_sc
    uw2 = uw * uw
    wav = (1.0 - uw2) * jnp.exp(-0.5 * uw2)

    sb = jnp.concatenate([four * disp[0:1], spl * disp[1:2],
                          rk * disp[2:3], wav * disp[3:4]], axis=0)
    emb_ref[...] = jax.lax.dot_general(
        sb, wblk_ref[...], (((0,), (0,)), ((), ())),
        preferred_element_type=jnp.float32)


def kernel(timestamp_input, auxiliary_features, Wr, br,
           W_fourier, W_spline, W_rkhs, W_wavelet):
    xin = jnp.concatenate([timestamp_input, auxiliary_features], axis=1)
    xin3 = xin.reshape(NW, TOK, NIN).transpose(0, 2, 1)
    wrb = jnp.broadcast_to(Wr.T[:, :, None], (NE, NIN, LANES))
    brb = jnp.broadcast_to(br[:, None], (NE, LANES))
    w3 = _make_sc_router()(xin3, wrb, brb)
    w = w3.transpose(0, 2, 1).reshape(B, NE)

    t_row = timestamp_input.reshape(1, B)
    auxt = auxiliary_features.T
    wrt = Wr.T
    brc = br.reshape(NE, 1)
    wblk = jnp.zeros((4 * 16, 4 * D), dtype=jnp.float32)
    for i, We in enumerate((W_fourier, W_spline, W_rkhs, W_wavelet)):
        wblk = wblk.at[16 * i:16 * (i + 1), D * i:D * (i + 1)].set(We)

    emb, mask_t = pl.pallas_call(
        _tc_body,
        grid=(B // BLK,),
        in_specs=[
            pl.BlockSpec((1, BLK), lambda i: (0, i)),
            pl.BlockSpec((16, BLK), lambda i: (0, i)),
            pl.BlockSpec((NE, NIN), lambda i: (0, 0)),
            pl.BlockSpec((NE, 1), lambda i: (0, 0)),
            pl.BlockSpec((64, 4 * D), lambda i: (0, 0)),
        ],
        out_specs=[
            pl.BlockSpec((BLK, 4 * D), lambda i: (i, 0)),
            pl.BlockSpec((NE, BLK), lambda i: (0, i)),
        ],
        out_shape=[
            jax.ShapeDtypeStruct((B, 4 * D), jnp.float32),
            jax.ShapeDtypeStruct((NE, B), jnp.float32),
        ],
    )(t_row, auxt, wrt, brc, wblk)
    mask = mask_t.T.astype(jnp.bool_)

    return emb, w, mask

# --- scband reference (transcript-rebuilt; emitter-appended) ---
"""Pipeline reference for scband-k-mote-4449586119086 (READ-ONLY COPY).

The authoritative reference and input builder live on the scoring server;
editing this copy changes nothing except your own understanding.
"""

import jax, jax.numpy as jnp
import numpy as np

B = 32768
AUX = 16
NUM_EXPERTS = 4
D = 64
K_TOP = 2
NB = 16


def _fourier_basis(t):
    # t: [B, 1] -> [B, 16] (8 sin + 8 cos harmonics)
    k = jnp.arange(1, 9, dtype=jnp.float32)
    return jnp.concatenate([jnp.sin(t * k), jnp.cos(t * k)], axis=-1)


def _spline_basis(t):
    # cubic bump (B-spline-like) basis on a uniform grid in [0, 1] -> [B, 16]
    grid = jnp.linspace(0.0, 1.0, NB)
    u = (t - grid) / 0.125
    b = jnp.maximum(1.0 - jnp.abs(u), 0.0)
    return b ** 3


def _rkhs_gaussian_basis(t):
    # Gaussian RKHS kernel features at fixed centers -> [B, 16]
    centers = jnp.linspace(0.0, 1.0, NB)
    return jnp.exp(-10.0 * (t - centers) ** 2)


def _wavelet_basis(t):
    # Mexican-hat wavelets at 4 scales x 4 translations -> [B, 16]
    trans = jnp.linspace(0.0, 1.0, 4)
    scales = jnp.array([0.5, 1.0, 2.0, 4.0])
    u = (t - trans)[:, None, :] / scales[None, :, None]  # [B, 4, 4]
    psi = (1.0 - u ** 2) * jnp.exp(-0.5 * u ** 2)
    return psi.reshape(t.shape[0], 16)


def setup_inputs(seed: int = 0) -> dict:
    key = jax.random.key(seed)
    ks = jax.random.split(key, 8)
    timestamp_input = jax.random.uniform(ks[0], (B, 1), dtype=jnp.float32)
    auxiliary_features = jax.random.normal(ks[1], (B, AUX), dtype=jnp.float32)
    Wr = jax.random.normal(ks[2], (1 + AUX, NUM_EXPERTS), dtype=jnp.float32) * 0.02
    br = jnp.zeros((NUM_EXPERTS,), dtype=jnp.float32)
    W_fourier = jax.random.normal(ks[3], (16, D), dtype=jnp.float32) * 0.1
    W_spline = jax.random.normal(ks[4], (NB, D), dtype=jnp.float32) * 0.1
    W_rkhs = jax.random.normal(ks[5], (NB, D), dtype=jnp.float32) * 0.1
    W_wavelet = jax.random.normal(ks[6], (16, D), dtype=jnp.float32) * 0.1
    return {
        "timestamp_input": timestamp_input,
        "auxiliary_features": auxiliary_features,
        "Wr": Wr,
        "br": br,
        "W_fourier": W_fourier,
        "W_spline": W_spline,
        "W_rkhs": W_rkhs,
        "W_wavelet": W_wavelet,
    }


def reference(timestamp_input, auxiliary_features, Wr, br, W_fourier, W_spline, W_rkhs, W_wavelet):
    # --- MoERouter ---
    router_in = jnp.concatenate([timestamp_input, auxiliary_features], axis=-1)
    router_logits = router_in @ Wr + br
    raw_weights = jax.nn.softmax(router_logits, axis=-1)
    expert_weights_for_loss = raw_weights

    # --- Top-K dispatch ---
    topk_weights, topk_indices = jax.lax.top_k(raw_weights, K_TOP)
    rows = jnp.arange(raw_weights.shape[0])[:, None]
    expert_selection_mask = jnp.zeros(raw_weights.shape, dtype=bool).at[rows, topk_indices].set(True)
    dispatch_weights = jnp.zeros_like(raw_weights).at[rows, topk_indices].set(topk_weights)

    # --- Experts (KANLayer, in_features=1) in fixed order: fourier, spline, rkhs_gaussian, wavelet ---
    expert_outputs = [
        _fourier_basis(timestamp_input) @ W_fourier,
        _spline_basis(timestamp_input) @ W_spline,
        _rkhs_gaussian_basis(timestamp_input) @ W_rkhs,
        _wavelet_basis(timestamp_input) @ W_wavelet,
    ]

    final_embedding_parts = []
    for i in range(NUM_EXPERTS):
        w_i = dispatch_weights[:, i][:, None]
        final_embedding_parts.append(expert_outputs[i] * w_i)
    final_embedding = jnp.concatenate(final_embedding_parts, axis=-1)
    return (final_embedding, expert_weights_for_loss, expert_selection_mask)

if __name__ == "__main__":
    import jax
    _d = setup_inputs()
    print(jax.jit(kernel)(*tuple(_d.values())))

</pallas_src>

<mosaic_0001>
#map = affine_map<(d0, d1) -> (0, 0, 0)>
#map1 = affine_map<(d0, d1) -> (0, 0)>
module attributes {stable_mosaic.version = 14 : i64} {
  func.func @_sc_router_body(%arg0: i32, %arg1: i32, %arg2: memref<32x17x1024xf32, #tpu.memory_space<hbm>>, %arg3: memref<4x17x16xf32, #tpu.memory_space<hbm>>, %arg4: memref<4x16xf32, #tpu.memory_space<hbm>>, %arg5: memref<32x4x1024xf32, #tpu.memory_space<hbm>>, %arg6: memref<17x1024xf32, #tpu.memory_space<vmem>>, %arg7: memref<4x17x16xf32, #tpu.memory_space<vmem>>, %arg8: memref<4x16xf32, #tpu.memory_space<vmem>>, %arg9: memref<4x1024xf32, #tpu.memory_space<vmem>>) attributes {dimension_semantics = [#tpu.dimension_semantics<core_parallel>, #tpu.dimension_semantics<subcore_parallel>], iteration_bounds = array<i64: 2, 16>, scalar_prefetch = 0 : i64, scratch_operands = 4 : i64, tpu.core_type = #tpu.core_type<sc_vector_subcore>, window_params = [{transform_indices = #map}, {transform_indices = #map}, {transform_indices = #map1}, {transform_indices = #map}]} {
    %mul3A = arith.constant 2 : i32
    %mul3A_0 = arith.muli %arg1, %mul3A : i32
    %add3A = arith.addi %mul3A_0, %arg0 : i32
    "tpu.region"() ({
      %run_scoped3A = tpu.sem_alloc : memref<!tpu.dma_semaphore, #tpu.memory_space<semaphore_mem>>
      %dma_start3A = arith.constant 0 : i32
      %dma_start3A_6 = arith.constant 0 : i32
      %dma_start3A_7 = tpu.memref_slice %arg2[%add3A, %dma_start3A, %dma_start3A_6] : memref<32x17x1024xf32, #tpu.memory_space<hbm>> -> memref<1x17x1024xf32, #tpu.memory_space<hbm>>
      %dma_start3A_8 = tpu.memref_squeeze %dma_start3A_7 : memref<1x17x1024xf32, #tpu.memory_space<hbm>> -> memref<17x1024xf32, #tpu.memory_space<hbm>>
      %dma_start3A_9 = arith.constant 0 : i32
      %dma_start3A_10 = arith.constant 0 : i32
      %dma_start3A_11 = tpu.memref_slice %arg2[%add3A, %dma_start3A_9, %dma_start3A_10] : memref<32x17x1024xf32, #tpu.memory_space<hbm>> -> memref<1x17x1024xf32, #tpu.memory_space<hbm>>
      %dma_start3A_12 = tpu.memref_squeeze %dma_start3A_11 : memref<1x17x1024xf32, #tpu.memory_space<hbm>> -> memref<17x1024xf32, #tpu.memory_space<hbm>>
      tpu.enqueue_dma source(%dma_start3A_12 : memref<17x1024xf32, #tpu.memory_space<hbm>>) target(%arg6 : memref<17x1024xf32, #tpu.memory_space<vmem>>) target_semaphore(%run_scoped3A : memref<!tpu.dma_semaphore, #tpu.memory_space<semaphore_mem>>)
      %dma_wait3A = arith.constant 0 : i32
      %dma_wait3A_13 = arith.constant 0 : i32
      %dma_wait3A_14 = tpu.memref_slice %arg2[%add3A, %dma_wait3A, %dma_wait3A_13] : memref<32x17x1024xf32, #tpu.memory_space<hbm>> -> memref<1x17x1024xf32, #tpu.memory_space<hbm>>
      %dma_wait3A_15 = tpu.memref_squeeze %dma_wait3A_14 : memref<1x17x1024xf32, #tpu.memory_space<hbm>> -> memref<17x1024xf32, #tpu.memory_space<hbm>>
      %dma_wait3A_16 = arith.constant 0 : i32
      %dma_wait3A_17 = arith.constant 0 : i32
      %dma_wait3A_18 = tpu.memref_slice %arg2[%add3A, %dma_wait3A_16, %dma_wait3A_17] : memref<32x17x1024xf32, #tpu.memory_space<hbm>> -> memref<1x17x1024xf32, #tpu.memory_space<hbm>>
      %dma_wait3A_19 = tpu.memref_squeeze %dma_wait3A_18 : memref<1x17x1024xf32, #tpu.memory_space<hbm>> -> memref<17x1024xf32, #tpu.memory_space<hbm>>
      tpu.wait_dma2 semaphore(%run_scoped3A : memref<!tpu.dma_semaphore, #tpu.memory_space<semaphore_mem>>) src(%dma_wait3A_19 : memref<17x1024xf32, #tpu.memory_space<hbm>>) dst(%arg6 : memref<17x1024xf32, #tpu.memory_space<vmem>>)
      tpu.yield
    }) : () -> ()
    "tpu.region"() ({
      %run_scoped3A = tpu.sem_alloc : memref<!tpu.dma_semaphore, #tpu.memory_space<semaphore_mem>>
      tpu.enqueue_dma source(%arg3 : memref<4x17x16xf32, #tpu.memory_space<hbm>>) target(%arg7 : memref<4x17x16xf32, #tpu.memory_space<vmem>>) target_semaphore(%run_scoped3A : memref<!tpu.dma_semaphore, #tpu.memory_space<semaphore_mem>>)
      tpu.wait_dma2 semaphore(%run_scoped3A : memref<!tpu.dma_semaphore, #tpu.memory_space<semaphore_mem>>) src(%arg3 : memref<4x17x16xf32, #tpu.memory_space<hbm>>) dst(%arg7 : memref<4x17x16xf32, #tpu.memory_space<vmem>>)
      tpu.yield
    }) : () -> ()
    "tpu.region"() ({
      %run_scoped3A = tpu.sem_alloc : memref<!tpu.dma_semaphore, #tpu.memory_space<semaphore_mem>>
      tpu.enqueue_dma source(%arg4 : memref<4x16xf32, #tpu.memory_space<hbm>>) target(%arg8 : memref<4x16xf32, #tpu.memory_space<vmem>>) target_semaphore(%run_scoped3A : memref<!tpu.dma_semaphore, #tpu.memory_space<semaphore_mem>>)
      tpu.wait_dma2 semaphore(%run_scoped3A : memref<!tpu.dma_semaphore, #tpu.memory_space<semaphore_mem>>) src(%arg4 : memref<4x16xf32, #tpu.memory_space<hbm>>) dst(%arg8 : memref<4x16xf32, #tpu.memory_space<vmem>>)
      tpu.yield
    }) : () -> ()
    %scan3A = arith.constant 0 : i32
    %scan3A_1 = arith.constant 0 : i32
    %scan3A_2 = arith.constant 64 : i32
    %scan3A_3 = arith.addi %scan3A_1, %scan3A_2 : i32
    %scan3A_4 = arith.constant 1 : i32
    scf.for %scan3A_6 = %scan3A_1 to %scan3A_3 step %scan3A_4  : i32 {
      %mul3A_7 = arith.constant 16 : i32
      %mul3A_8 = arith.muli %scan3A_6, %mul3A_7 : i32
      %get3A = arith.constant 0 : i32
      %get3A_9 = arith.index_cast %get3A : i32 to index
      %get3A_10 = arith.index_cast %mul3A_8 : i32 to index
      %get3A_11 = tpu.vector_load %arg6[%get3A_9, %get3A_10] {strides = array<i32>} : memref<17x1024xf32, #tpu.memory_space<vmem>>, vector<1x16xf32>,
      %get3A_12 = vector.shape_cast %get3A_11 : vector<1x16xf32> to vector<16xf32>
      %get3A_13 = arith.constant 1 : i32
      %get3A_14 = arith.index_cast %get3A_13 : i32 to index
      %get3A_15 = arith.index_cast %mul3A_8 : i32 to index
      %get3A_16 = tpu.vector_load %arg6[%get3A_14, %get3A_15] {strides = array<i32>} : memref<17x1024xf32, #tpu.memory_space<vmem>>, vector<1x16xf32>,
      %get3A_17 = vector.shape_cast %get3A_16 : vector<1x16xf32> to vector<16xf32>
      %get3A_18 = arith.constant 2 : i32
      %get3A_19 = arith.index_cast %get3A_18 : i32 to index
      %get3A_20 = arith.index_cast %mul3A_8 : i32 to index
      %get3A_21 = tpu.vector_load %arg6[%get3A_19, %get3A_20] {strides = array<i32>} : memref<17x1024xf32, #tpu.memory_space<vmem>>, vector<1x16xf32>,
      %get3A_22 = vector.shape_cast %get3A_21 : vector<1x16xf32> to vector<16xf32>
      %get3A_23 = arith.constant 3 : i32
      %get3A_24 = arith.index_cast %get3A_23 : i32 to index
      %get3A_25 = arith.index_cast %mul3A_8 : i32 to index
      %get3A_26 = tpu.vector_load %arg6[%get3A_24, %get3A_25] {strides = array<i32>} : memref<17x1024xf32, #tpu.memory_space<vmem>>, vector<1x16xf32>,
      %get3A_27 = vector.shape_cast %get3A_26 : vector<1x16xf32> to vector<16xf32>
      %get3A_28 = arith.constant 4 : i32
      %get3A_29 = arith.index_cast %get3A_28 : i32 to index
      %get3A_30 = arith.index_cast %mul3A_8 : i32 to index
      %get3A_31 = tpu.vector_load %arg6[%get3A_29, %get3A_30] {strides = array<i32>} : memref<17x1024xf32, #tpu.memory_space<vmem>>, vector<1x16xf32>,
      %get3A_32 = vector.shape_cast %get3A_31 : vector<1x16xf32> to vector<16xf32>
      %get3A_33 = arith.constant 5 : i32
      %get3A_34 = arith.index_cast %get3A_33 : i32 to index
      %get3A_35 = arith.index_cast %mul3A_8 : i32 to index
      %get3A_36 = tpu.vector_load %arg6[%get3A_34, %get3A_35] {strides = array<i32>} : memref<17x1024xf32, #tpu.memory_space<vmem>>, vector<1x16xf32>,
      %get3A_37 = vector.shape_cast %get3A_36 : vector<1x16xf32> to vector<16xf32>
      %get3A_38 = arith.constant 6 : i32
      %get3A_39 = arith.index_cast %get3A_38 : i32 to index
      %get3A_40 = arith.index_cast %mul3A_8 : i32 to index
      %get3A_41 = tpu.vector_load %arg6[%get3A_39, %get3A_40] {strides = array<i32>} : memref<17x1024xf32, #tpu.memory_space<vmem>>, vector<1x16xf32>,
      %get3A_42 = vector.shape_cast %get3A_41 : vector<1x16xf32> to vector<16xf32>
      %get3A_43 = arith.constant 7 : i32
      %get3A_44 = arith.index_cast %get3A_43 : i32 to index
      %get3A_45 = arith.index_cast %mul3A_8 : i32 to index
      %get3A_46 = tpu.vector_load %arg6[%get3A_44, %get3A_45] {strides = array<i32>} : memref<17x1024xf32, #tpu.memory_space<vmem>>, vector<1x16xf32>,
      %get3A_47 = vector.shape_cast %get3A_46 : vector<1x16xf32> to vector<16xf32>
      %get3A_48 = arith.constant 8 : i32
      %get3A_49 = arith.index_cast %get3A_48 : i32 to index
      %get3A_50 = arith.index_cast %mul3A_8 : i32 to index
      %get3A_51 = tpu.vector_load %arg6[%get3A_49, %get3A_50] {strides = array<i32>} : memref<17x1024xf32, #tpu.memory_space<vmem>>, vector<1x16xf32>,
      %get3A_52 = vector.shape_cast %get3A_51 : vector<1x16xf32> to vector<16xf32>
      %get3A_53 = arith.constant 9 : i32
      %get3A_54 = arith.index_cast %get3A_53 : i32 to index
      %get3A_55 = arith.index_cast %mul3A_8 : i32 to index
      %get3A_56 = tpu.vector_load %arg6[%get3A_54, %get3A_55] {strides = array<i32>} : memref<17x1024xf32, #tpu.memory_space<vmem>>, vector<1x16xf32>,
      %get3A_57 = vector.shape_cast %get3A_56 : vector<1x16xf32> to vector<16xf32>
      %get3A_58 = arith.constant 10 : i32
      %get3A_59 = arith.index_cast %get3A_58 : i32 to index
      %get3A_60 = arith.index_cast %mul3A_8 : i32 to index
      %get3A_61 = tpu.vector_load %arg6[%get3A_59, %get3A_60] {strides = array<i32>} : memref<17x1024xf32, #tpu.memory_space<vmem>>, vector<1x16xf32>,
      %get3A_62 = vector.shape_cast %get3A_61 : vector<1x16xf32> to vector<16xf32>
      %get3A_63 = arith.constant 11 : i32
      %get3A_64 = arith.index_cast %get3A_63 : i32 to index
      %get3A_65 = arith.index_cast %mul3A_8 : i32 to index
      %get3A_66 = tpu.vector_load %arg6[%get3A_64, %get3A_65] {strides = array<i32>} : memref<17x1024xf32, #tpu.memory_space<vmem>>, vector<1x16xf32>,
      %get3A_67 = vector.shape_cast %get3A_66 : vector<1x16xf32> to vector<16xf32>
      %get3A_68 = arith.constant 12 : i32
      %get3A_69 = arith.index_cast %get3A_68 : i32 to index
      %get3A_70 = arith.index_cast %mul3A_8 : i32 to index
      %get3A_71 = tpu.vector_load %arg6[%get3A_69, %get3A_70] {strides = array<i32>} : memref<17x1024xf32, #tpu.memory_space<vmem>>, vector<1x16xf32>,
      %get3A_72 = vector.shape_cast %get3A_71 : vector<1x16xf32> to vector<16xf32>
      %get3A_73 = arith.constant 13 : i32
      %get3A_74 = arith.index_cast %get3A_73 : i32 to index
      %get3A_75 = arith.index_cast %mul3A_8 : i32 to index
      %get3A_76 = tpu.vector_load %arg6[%get3A_74, %get3A_75] {strides = array<i32>} : memref<17x1024xf32, #tpu.memory_space<vmem>>, vector<1x16xf32>,
      %get3A_77 = vector.shape_cast %get3A_76 : vector<1x16xf32> to vector<16xf32>
      %get3A_78 = arith.constant 14 : i32
      %get3A_79 = arith.index_cast %get3A_78 : i32 to index
      %get3A_80 = arith.index_cast %mul3A_8 : i32 to index
      %get3A_81 = tpu.vector_load %arg6[%get3A_79, %get3A_80] {strides = array<i32>} : memref<17x1024xf32, #tpu.memory_space<vmem>>, vector<1x16xf32>,
      %get3A_82 = vector.shape_cast %get3A_81 : vector<1x16xf32> to vector<16xf32>
      %get3A_83 = arith.constant 15 : i32
      %get3A_84 = arith.index_cast %get3A_83 : i32 to index
      %get3A_85 = arith.index_cast %mul3A_8 : i32 to index
      %get3A_86 = tpu.vector_load %arg6[%get3A_84, %get3A_85] {strides = array<i32>} : memref<17x1024xf32, #tpu.memory_space<vmem>>, vector<1x16xf32>,
      %get3A_87 = vector.shape_cast %get3A_86 : vector<1x16xf32> to vector<16xf32>
      %get3A_88 = arith.constant 16 : i32
      %get3A_89 = arith.index_cast %get3A_88 : i32 to index
      %get3A_90 = arith.index_cast %mul3A_8 : i32 to index
      %get3A_91 = tpu.vector_load %arg6[%get3A_89, %get3A_90] {strides = array<i32>} : memref<17x1024xf32, #tpu.memory_space<vmem>>, vector<1x16xf32>,
      %get3A_92 = vector.shape_cast %get3A_91 : vector<1x16xf32> to vector<16xf32>
      %get3A_93 = arith.constant 0 : i32
      %get3A_94 = arith.index_cast %get3A_93 : i32 to index
      %get3A_95 = arith.constant 0 : index
      %get3A_96 = tpu.vector_load %arg8[%get3A_94, %get3A_95] {strides = array<i32>} : memref<4x16xf32, #tpu.memory_space<vmem>>, vector<1x16xf32>,
      %get3A_97 = vector.shape_cast %get3A_96 : vector<1x16xf32> to vector<16xf32>
      %get3A_98 = arith.constant 0 : i32
      %get3A_99 = arith.constant 0 : i32
      %get3A_100 = arith.index_cast %get3A_98 : i32 to index
      %get3A_101 = arith.index_cast %get3A_99 : i32 to index
      %get3A_102 = arith.constant 0 : index
      %get3A_103 = tpu.vector_load %arg7[%get3A_100, %get3A_101, %get3A_102] {strides = array<i32>} : memref<4x17x16xf32, #tpu.memory_space<vmem>>, vector<1x1x16xf32>,
      %get3A_104 = vector.shape_cast %get3A_103 : vector<1x1x16xf32> to vector<16xf32>
      %mul3A_105 = arith.mulf %get3A_12, %get3A_104 : vector<16xf32>
      %add3A_106 = arith.addf %get3A_97, %mul3A_105 : vector<16xf32>
      %get3A_107 = arith.constant 0 : i32
      %get3A_108 = arith.constant 1 : i32
      %get3A_109 = arith.index_cast %get3A_107 : i32 to index
      %get3A_110 = arith.index_cast %get3A_108 : i32 to index
      %get3A_111 = arith.constant 0 : index
      %get3A_112 = tpu.vector_load %arg7[%get3A_109, %get3A_110, %get3A_111] {strides = array<i32>} : memref<4x17x16xf32, #tpu.memory_space<vmem>>, vector<1x1x16xf32>,
      %get3A_113 = vector.shape_cast %get3A_112 : vector<1x1x16xf32> to vector<16xf32>
      %mul3A_114 = arith.mulf %get3A_17, %get3A_113 : vector<16xf32>
      %add3A_115 = arith.addf %add3A_106, %mul3A_114 : vector<16xf32>
      %get3A_116 = arith.constant 0 : i32
      %get3A_117 = arith.constant 2 : i32
      %get3A_118 = arith.index_cast %get3A_116 : i32 to index
      %get3A_119 = arith.index_cast %get3A_117 : i32 to index
      %get3A_120 = arith.constant 0 : index
      %get3A_121 = tpu.vector_load %arg7[%get3A_118, %get3A_119, %get3A_120] {strides = array<i32>} : memref<4x17x16xf32, #tpu.memory_space<vmem>>, vector<1x1x16xf32>,
      %get3A_122 = vector.shape_cast %get3A_121 : vector<1x1x16xf32> to vector<16xf32>
      %mul3A_123 = arith.mulf %get3A_22, %get3A_122 : vector<16xf32>
      %add3A_124 = arith.addf %add3A_115, %mul3A_123 : vector<16xf32>
      %get3A_125 = arith.constant 0 : i32
      %get3A_126 = arith.constant 3 : i32
      %get3A_127 = arith.index_cast %get3A_125 : i32 to index
      %get3A_128 = arith.index_cast %get3A_126 : i32 to index
      %get3A_129 = arith.constant 0 : index
      %get3A_130 = tpu.vector_load %arg7[%get3A_127, %get3A_128, %get3A_129] {strides = array<i32>} : memref<4x17x16xf32, #tpu.memory_space<vmem>>, vector<1x1x16xf32>,
      %get3A_131 = vector.shape_cast %get3A_130 : vector<1x1x16xf32> to vector<16xf32>
      %mul3A_132 = arith.mulf %get3A_27, %get3A_131 : vector<16xf32>
      %add3A_133 = arith.addf %add3A_124, %mul3A_132 : vector<16xf32>
      %get3A_134 = arith.constant 0 : i32
      %get3A_135 = arith.constant 4 : i32
      %get3A_136 = arith.index_cast %get3A_134 : i32 to index
      %get3A_137 = arith.index_cast %get3A_135 : i32 to index
      %get3A_138 = arith.constant 0 : index
      %get3A_139 = tpu.vector_load %arg7[%get3A_136, %get3A_137, %get3A_138] {strides = array<i32>} : memref<4x17x16xf32, #tpu.memory_space<vmem>>, vector<1x1x16xf32>,
      %get3A_140 = vector.shape_cast %get3A_139 : vector<1x1x16xf32> to vector<16xf32>
      %mul3A_141 = arith.mulf %get3A_32, %get3A_140 : vector<16xf32>
      %add3A_142 = arith.addf %add3A_133, %mul3A_141 : vector<16xf32>
      %get3A_143 = arith.constant 0 : i32
      %get3A_144 = arith.constant 5 : i32
      %get3A_145 = arith.index_cast %get3A_143 : i32 to index
      %get3A_146 = arith.index_cast %get3A_144 : i32 to index
      %get3A_147 = arith.constant 0 : index
      %get3A_148 = tpu.vector_load %arg7[%get3A_145, %get3A_146, %get3A_147] {strides = array<i32>} : memref<4x17x16xf32, #tpu.memory_space<vmem>>, vector<1x1x16xf32>,
      %get3A_149 = vector.shape_cast %get3A_148 : vector<1x1x16xf32> to vector<16xf32>
      %mul3A_150 = arith.mulf %get3A_37, %get3A_149 : vector<16xf32>
      %add3A_151 = arith.addf %add3A_142, %mul3A_150 : vector<16xf32>
      %get3A_152 = arith.constant 0 : i32
      %get3A_153 = arith.constant 6 : i32
      %get3A_154 = arith.index_cast %get3A_152 : i32 to index
      %get3A_155 = arith.index_cast %get3A_153 : i32 to index
      %get3A_156 = arith.constant 0 : index
      %get3A_157 = tpu.vector_load %arg7[%get3A_154, %get3A_155, %get3A_156] {strides = array<i32>} : memref<4x17x16xf32, #tpu.memory_space<vmem>>, vector<1x1x16xf32>,
      %get3A_158 = vector.shape_cast %get3A_157 : vector<1x1x16xf32> to vector<16xf32>
      %mul3A_159 = arith.mulf %get3A_42, %get3A_158 : vector<16xf32>
      %add3A_160 = arith.addf %add3A_151, %mul3A_159 : vector<16xf32>
      %get3A_161 = arith.constant 0 : i32
      %get3A_162 = arith.constant 7 : i32
      %get3A_163 = arith.index_cast %get3A_161 : i32 to index
      %get3A_164 = arith.index_cast %get3A_162 : i32 to index
      %get3A_165 = arith.constant 0 : index
      %get3A_166 = tpu.vector_load %arg7[%get3A_163, %get3A_164, %get3A_165] {strides = array<i32>} : memref<4x17x16xf32, #tpu.memory_space<vmem>>, vector<1x1x16xf32>,
      %get3A_167 = vector.shape_cast %get3A_166 : vector<1x1x16xf32> to vector<16xf32>
      %mul3A_168 = arith.mulf %get3A_47, %get3A_167 : vector<16xf32>
      %add3A_169 = arith.addf %add3A_160, %mul3A_168 : vector<16xf32>
      %get3A_170 = arith.constant 0 : i32
      %get3A_171 = arith.constant 8 : i32
      %get3A_172 = arith.index_cast %get3A_170 : i32 to index
      %get3A_173 = arith.index_cast %get3A_171 : i32 to index
      %get3A_174 = arith.constant 0 : index
      %get3A_175 = tpu.vector_load %arg7[%get3A_172, %get3A_173, %get3A_174] {strides = array<i32>} : memref<4x17x16xf32, #tpu.memory_space<vmem>>, vector<1x1x16xf32>,
      %get3A_176 = vector.shape_cast %get3A_175 : vector<1x1x16xf32> to vector<16xf32>
      %mul3A_177 = arith.mulf %get3A_52, %get3A_176 : vector<16xf32>
      %add3A_178 = arith.addf %add3A_169, %mul3A_177 : vector<16xf32>
      %get3A_179 = arith.constant 0 : i32
      %get3A_180 = arith.constant 9 : i32
      %get3A_181 = arith.index_cast %get3A_179 : i32 to index
      %get3A_182 = arith.index_cast %get3A_180 : i32 to index
      %get3A_183 = arith.constant 0 : index
      %get3A_184 = tpu.vector_load %arg7[%get3A_181, %get3A_182, %get3A_183] {strides = array<i32>} : memref<4x17x16xf32, #tpu.memory_space<vmem>>, vector<1x1x16xf32>,
      %get3A_185 = vector.shape_cast %get3A_184 : vector<1x1x16xf32> to vector<16xf32>
      %mul3A_186 = arith.mulf %get3A_57, %get3A_185 : vector<16xf32>
      %add3A_187 = arith.addf %add3A_178, %mul3A_186 : vector<16xf32>
      %get3A_188 = arith.constant 0 : i32
      %get3A_189 = arith.constant 10 : i32
      %get3A_190 = arith.index_cast %get3A_188 : i32 to index
      %get3A_191 = arith.index_cast %get3A_189 : i32 to index
      %get3A_192 = arith.constant 0 : index
      %get3A_193 = tpu.vector_load %arg7[%get3A_190, %get3A_191, %get3A_192] {strides = array<i32>} : memref<4x17x16xf32, #tpu.memory_space<vmem>>, vector<1x1x16xf32>,
      %get3A_194 = vector.shape_cast %get3A_193 : vector<1x1x16xf32> to vector<16xf32>
      %mul3A_195 = arith.mulf %get3A_62, %get3A_194 : vector<16xf32>
      %add3A_196 = arith.addf %add3A_187, %mul3A_195 : vector<16xf32>
      %get3A_197 = arith.constant 0 : i32
      %get3A_198 = arith.constant 11 : i32
      %get3A_199 = arith.index_cast %get3A_197 : i32 to index
      %get3A_200 = arith.index_cast %get3A_198 : i32 to index
      %get3A_201 = arith.constant 0 : index
      %get3A_202 = tpu.vector_load %arg7[%get3A_199, %get3A_200, %get3A_201] {strides = array<i32>} : memref<4x17x16xf32, #tpu.memory_space<vmem>>, vector<1x1x16xf32>,
      %get3A_203 = vector.shape_cast %get3A_202 : vector<1x1x16xf32> to vector<16xf32>
      %mul3A_204 = arith.mulf %get3A_67, %get3A_203 : vector<16xf32>
      %add3A_205 = arith.addf %add3A_196, %mul3A_204 : vector<16xf32>
      %get3A_206 = arith.constant 0 : i32
      %get3A_207 = arith.constant 12 : i32
      %get3A_208 = arith.index_cast %get3A_206 : i32 to index
      %get3A_209 = arith.index_cast %get3A_207 : i32 to index
      %get3A_210 = arith.constant 0 : index
      %get3A_211 = tpu.vector_load %arg7[%get3A_208, %get3A_209, %get3A_210] {strides = array<i32>} : memref<4x17x16xf32, #tpu.memory_space<vmem>>, vector<1x1x16xf32>,
      %get3A_212 = vector.shape_cast %get3A_211 : vector<1x1x16xf32> to vector<16xf32>
      %mul3A_213 = arith.mulf %get3A_72, %get3A_212 : vector<16xf32>
      %add3A_214 = arith.addf %add3A_205, %mul3A_213 : vector<16xf32>
      %get3A_215 = arith.constant 0 : i32
      %get3A_216 = arith.constant 13 : i32
      %get3A_217 = arith.index_cast %get3A_215 : i32 to index
      %get3A_218 = arith.index_cast %get3A_216 : i32 to index
      %get3A_219 = arith.constant 0 : index
      %get3A_220 = tpu.vector_load %arg7[%get3A_217, %get3A_218, %get3A_219] {strides = array<i32>} : memref<4x17x16xf32, #tpu.memory_space<vmem>>, vector<1x1x16xf32>,
      %get3A_221 = vector.shape_cast %get3A_220 : vector<1x1x16xf32> to vector<16xf32>
      %mul3A_222 = arith.mulf %get3A_77, %get3A_221 : vector<16xf32>
      %add3A_223 = arith.addf %add3A_214, %mul3A_222 : vector<16xf32>
      %get3A_224 = arith.constant 0 : i32
      %get3A_225 = arith.constant 14 : i32
      %get3A_226 = arith.index_cast %get3A_224 : i32 to index
      %get3A_227 = arith.index_cast %get3A_225 : i32 to index
      %get3A_228 = arith.constant 0 : index
      %get3A_229 = tpu.vector_load %arg7[%get3A_226, %get3A_227, %get3A_228] {strides = array<i32>} : memref<4x17x16xf32, #tpu.memory_space<vmem>>, vector<1x1x16xf32>,
      %get3A_230 = vector.shape_cast %get3A_229 : vector<1x1x16xf32> to vector<16xf32>
      %mul3A_231 = arith.mulf %get3A_82, %get3A_230 : vector<16xf32>
      %add3A_232 = arith.addf %add3A_223, %mul3A_231 : vector<16xf32>
      %get3A_233 = arith.constant 0 : i32
      %get3A_234 = arith.constant 15 : i32
      %get3A_235 = arith.index_cast %get3A_233 : i32 to index
      %get3A_236 = arith.index_cast %get3A_234 : i32 to index
      %get3A_237 = arith.constant 0 : index
      %get3A_238 = tpu.vector_load %arg7[%get3A_235, %get3A_236, %get3A_237] {strides = array<i32>} : memref<4x17x16xf32, #tpu.memory_space<vmem>>, vector<1x1x16xf32>,
      %get3A_239 = vector.shape_cast %get3A_238 : vector<1x1x16xf32> to vector<16xf32>
      %mul3A_240 = arith.mulf %get3A_87, %get3A_239 : vector<16xf32>
      %add3A_241 = arith.addf %add3A_232, %mul3A_240 : vector<16xf32>
      %get3A_242 = arith.constant 0 : i32
      %get3A_243 = arith.constant 16 : i32
      %get3A_244 = arith.index_cast %get3A_242 : i32 to index
      %get3A_245 = arith.index_cast %get3A_243 : i32 to index
      %get3A_246 = arith.constant 0 : index
      %get3A_247 = tpu.vector_load %arg7[%get3A_244, %get3A_245, %get3A_246] {strides = array<i32>} : memref<4x17x16xf32, #tpu.memory_space<vmem>>, vector<1x1x16xf32>,
      %get3A_248 = vector.shape_cast %get3A_247 : vector<1x1x16xf32> to vector<16xf32>
      %mul3A_249 = arith.mulf %get3A_92, %get3A_248 : vector<16xf32>
      %add3A_250 = arith.addf %add3A_241, %mul3A_249 : vector<16xf32>
      %get3A_251 = arith.constant 1 : i32
      %get3A_252 = arith.index_cast %get3A_251 : i32 to index
      %get3A_253 = arith.constant 0 : index
      %get3A_254 = tpu.vector_load %arg8[%get3A_252, %get3A_253] {strides = array<i32>} : memref<4x16xf32, #tpu.memory_space<vmem>>, vector<1x16xf32>,
      %get3A_255 = vector.shape_cast %get3A_254 : vector<1x16xf32> to vector<16xf32>
      %get3A_256 = arith.constant 1 : i32
      %get3A_257 = arith.constant 0 : i32
      %get3A_258 = arith.index_cast %get3A_256 : i32 to index
      %get3A_259 = arith.index_cast %get3A_257 : i32 to index
      %get3A_260 = arith.constant 0 : index
      %get3A_261 = tpu.vector_load %arg7[%get3A_258, %get3A_259, %get3A_260] {strides = array<i32>} : memref<4x17x16xf32, #tpu.memory_space<vmem>>, vector<1x1x16xf32>,
      %get3A_262 = vector.shape_cast %get3A_261 : vector<1x1x16xf32> to vector<16xf32>
      %mul3A_263 = arith.mulf %get3A_12, %get3A_262 : vector<16xf32>
      %add3A_264 = arith.addf %get3A_255, %mul3A_263 : vector<16xf32>
      %get3A_265 = arith.constant 1 : i32
      %get3A_266 = arith.constant 1 : i32
      %get3A_267 = arith.index_cast %get3A_265 : i32 to index
      %get3A_268 = arith.index_cast %get3A_266 : i32 to index
      %get3A_269 = arith.constant 0 : index
      %get3A_270 = tpu.vector_load %arg7[%get3A_267, %get3A_268, %get3A_269] {strides = array<i32>} : memref<4x17x16xf32, #tpu.memory_space<vmem>>, vector<1x1x16xf32>,
      %get3A_271 = vector.shape_cast %get3A_270 : vector<1x1x16xf32> to vector<16xf32>
      %mul3A_272 = arith.mulf %get3A_17, %get3A_271 : vector<16xf32>
      %add3A_273 = arith.addf %add3A_264, %mul3A_272 : vector<16xf32>
      %get3A_274 = arith.constant 1 : i32
      %get3A_275 = arith.constant 2 : i32
      %get3A_276 = arith.index_cast %get3A_274 : i32 to index
      %get3A_277 = arith.index_cast %get3A_275 : i32 to index
      %get3A_278 = arith.constant 0 : index
      %get3A_279 = tpu.vector_load %arg7[%get3A_276, %get3A_277, %get3A_278] {strides = array<i32>} : memref<4x17x16xf32, #tpu.memory_space<vmem>>, vector<1x1x16xf32>,
      %get3A_280 = vector.shape_cast %get3A_279 : vector<1x1x16xf32> to vector<16xf32>
      %mul3A_281 = arith.mulf %get3A_22, %get3A_280 : vector<16xf32>
      %add3A_282 = arith.addf %add3A_273, %mul3A_281 : vector<16xf32>
      %get3A_283 = arith.constant 1 : i32
      %get3A_284 = arith.constant 3 : i32
      %get3A_285 = arith.index_cast %get3A_283 : i32 to index
      %get3A_286 = arith.index_cast %get3A_284 : i32 to index
      %get3A_287 = arith.constant 0 : index
      %get3A_288 = tpu.vector_load %arg7[%get3A_285, %get3A_286, %get3A_287] {strides = array<i32>} : memref<4x17x16xf32, #tpu.memory_space<vmem>>, vector<1x1x16xf32>,
      %get3A_289 = vector.shape_cast %get3A_288 : vector<1x1x16xf32> to vector<16xf32>
      %mul3A_290 = arith.mulf %get3A_27, %get3A_289 : vector<16xf32>
      %add3A_291 = arith.addf %add3A_282, %mul3A_290 : vector<16xf32>
      %get3A_292 = arith.constant 1 : i32
      %get3A_293 = arith.constant 4 : i32
      %get3A_294 = arith.index_cast %get3A_292 : i32 to index
      %get3A_295 = arith.index_cast %get3A_293 : i32 to index
      %get3A_296 = arith.constant 0 : index
      %get3A_297 = tpu.vector_load %arg7[%get3A_294, %get3A_295, %get3A_296] {strides = array<i32>} : memref<4x17x16xf32, #tpu.memory_space<vmem>>, vector<1x1x16xf32>,
      %get3A_298 = vector.shape_cast %get3A_297 : vector<1x1x16xf32> to vector<16xf32>
      %mul3A_299 = arith.mulf %get3A_32, %get3A_298 : vector<16xf32>
      %add3A_300 = arith.addf %add3A_291, %mul3A_299 : vector<16xf32>
      %get3A_301 = arith.constant 1 : i32
      %get3A_302 = arith.constant 5 : i32
      %get3A_303 = arith.index_cast %get3A_301 : i32 to index
      %get3A_304 = arith.index_cast %get3A_302 : i32 to index
      %get3A_305 = arith.constant 0 : index
      %get3A_306 = tpu.vector_load %arg7[%get3A_303, %get3A_304, %get3A_305] {strides = array<i32>} : memref<4x17x16xf32, #tpu.memory_space<vmem>>, vector<1x1x16xf32>,
      %get3A_307 = vector.shape_cast %get3A_306 : vector<1x1x16xf32> to vector<16xf32>
      %mul3A_308 = arith.mulf %get3A_37, %get3A_307 : vector<16xf32>
      %add3A_309 = arith.addf %add3A_300, %mul3A_308 : vector<16xf32>
      %get3A_310 = arith.constant 1 : i32
      %get3A_311 = arith.constant 6 : i32
      %get3A_312 = arith.index_cast %get3A_310 : i32 to index
      %get3A_313 = arith.index_cast %get3A_311 : i32 to index
      %get3A_314 = arith.constant 0 : index
      %get3A_315 = tpu.vector_load %arg7[%get3A_312, %get3A_313, %get3A_314] {strides = array<i32>} : memref<4x17x16xf32, #tpu.memory_space<vmem>>, vector<1x1x16xf32>,
      %get3A_316 = vector.shape_cast %get3A_315 : vector<1x1x16xf32> to vector<16xf32>
      %mul3A_317 = arith.mulf %get3A_42, %get3A_316 : vector<16xf32>
      %add3A_318 = arith.addf %add3A_309, %mul3A_317 : vector<16xf32>
      %get3A_319 = arith.constant 1 : i32
      %get3A_320 = arith.constant 7 : i32
      %get3A_321 = arith.index_cast %get3A_319 : i32 to index
      %get3A_322 = arith.index_cast %get3A_320 : i32 to index
      %get3A_323 = arith.constant 0 : index
      %get3A_324 = tpu.vector_load %arg7[%get3A_321, %get3A_322, %get3A_323] {strides = array<i32>} : memref<4x17x16xf32, #tpu.memory_space<vmem>>, vector<1x1x16xf32>,
      %get3A_325 = vector.shape_cast %get3A_324 : vector<1x1x16xf32> to vector<16xf32>
      %mul3A_326 = arith.mulf %get3A_47, %get3A_325 : vector<16xf32>
      %add3A_327 = arith.addf %add3A_318, %mul3A_326 : vector<16xf32>
      %get3A_328 = arith.constant 1 : i32
      %get3A_329 = arith.constant 8 : i32
      %get3A_330 = arith.index_cast %get3A_328 : i32 to index
      %get3A_331 = arith.index_cast %get3A_329 : i32 to index
      %get3A_332 = arith.constant 0 : index
      %get3A_333 = tpu.vector_load %arg7[%get3A_330, %get3A_331, %get3A_332] {strides = array<i32>} : memref<4x17x16xf32, #tpu.memory_space<vmem>>, vector<1x1x16xf32>,
      %get3A_334 = vector.shape_cast %get3A_333 : vector<1x1x16xf32> to vector<16xf32>
      %mul3A_335 = arith.mulf %get3A_52, %get3A_334 : vector<16xf32>
      %add3A_336 = arith.addf %add3A_327, %mul3A_335 : vector<16xf32>
      %get3A_337 = arith.constant 1 : i32
      %get3A_338 = arith.constant 9 : i32
      %get3A_339 = arith.index_cast %get3A_337 : i32 to index
      %get3A_340 = arith.index_cast %get3A_338 : i32 to index
      %get3A_341 = arith.constant 0 : index
      %get3A_342 = tpu.vector_load %arg7[%get3A_339, %get3A_340, %get3A_341] {strides = array<i32>} : memref<4x17x16xf32, #tpu.memory_space<vmem>>, vector<1x1x16xf32>,
      %get3A_343 = vector.shape_cast %get3A_342 : vector<1x1x16xf32> to vector<16xf32>
      %mul3A_344 = arith.mulf %get3A_57, %get3A_343 : vector<16xf32>
      %add3A_345 = arith.addf %add3A_336, %mul3A_344 : vector<16xf32>
      %get3A_346 = arith.constant 1 : i32
      %get3A_347 = arith.constant 10 : i32
      %get3A_348 = arith.index_cast %get3A_346 : i32 to index
      %get3A_349 = arith.index_cast %get3A_347 : i32 to index
      %get3A_350 = arith.constant 0 : index
      %get3A_351 = tpu.vector_load %arg7[%get3A_348, %get3A_349, %get3A_350] {strides = array<i32>} : memref<4x17x16xf32, #tpu.memory_space<vmem>>, vector<1x1x16xf32>,
      %get3A_352 = vector.shape_cast %get3A_351 : vector<1x1x16xf32> to vector<16xf32>
      %mul3A_353 = arith.mulf %get3A_62, %get3A_352 : vector<16xf32>
      %add3A_354 = arith.addf %add3A_345, %mul3A_353 : vector<16xf32>
      %get3A_355 = arith.constant 1 : i32
      %get3A_356 = arith.constant 11 : i32
      %get3A_357 = arith.index_cast %get3A_355 : i32 to index
      %get3A_358 = arith.index_cast %get3A_356 : i32 to index
      %get3A_359 = arith.constant 0 : index
      %get3A_360 = tpu.vector_load %arg7[%get3A_357, %get3A_358, %get3A_359] {strides = array<i32>} : memref<4x17x16xf32, #tpu.memory_space<vmem>>, vector<1x1x16xf32>,
      %get3A_361 = vector.shape_cast %get3A_360 : vector<1x1x16xf32> to vector<16xf32>
      %mul3A_362 = arith.mulf %get3A_67, %get3A_361 : vector<16xf32>
      %add3A_363 = arith.addf %add3A_354, %mul3A_362 : vector<16xf32>
      %get3A_364 = arith.constant 1 : i32
      %get3A_365 = arith.constant 12 : i32
      %get3A_366 = arith.index_cast %get3A_364 : i32 to index
      %get3A_367 = arith.index_cast %get3A_365 : i32 to index
      %get3A_368 = arith.constant 0 : index
      %get3A_369 = tpu.vector_load %arg7[%get3A_366, %get3A_367, %get3A_368] {strides = array<i32>} : memref<4x17x16xf32, #tpu.memory_space<vmem>>, vector<1x1x16xf32>,
      %get3A_370 = vector.shape_cast %get3A_369 : vector<1x1x16xf32> to vector<16xf32>
      %mul3A_371 = arith.mulf %get3A_72, %get3A_370 : vector<16xf32>
      %add3A_372 = arith.addf %add3A_363, %mul3A_371 : vector<16xf32>
      %get3A_373 = arith.constant 1 : i32
      %get3A_374 = arith.constant 13 : i32
      %get3A_375 = arith.index_cast %get3A_373 : i32 to index
      %get3A_376 = arith.index_cast %get3A_374 : i32 to index
      %get3A_377 = arith.constant 0 : index
      %get3A_378 = tpu.vector_load %arg7[%get3A_375, %get3A_376, %get3A_377] {strides = array<i32>} : memref<4x17x16xf32, #tpu.memory_space<vmem>>, vector<1x1x16xf32>,
      %get3A_379 = vector.shape_cast %get3A_378 : vector<1x1x16xf32> to vector<16xf32>
      %mul3A_380 = arith.mulf %get3A_77, %get3A_379 : vector<16xf32>
      %add3A_381 = arith.addf %add3A_372, %mul3A_380 : vector<16xf32>
      %get3A_382 = arith.constant 1 : i32
      %get3A_383 = arith.constant 14 : i32
      %get3A_384 = arith.index_cast %get3A_382 : i32 to index
      %get3A_385 = arith.index_cast %get3A_383 : i32 to index
      %get3A_386 = arith.constant 0 : index
      %get3A_387 = tpu.vector_load %arg7[%get3A_384, %get3A_385, %get3A_386] {strides = array<i32>} : memref<4x17x16xf32, #tpu.memory_space<vmem>>, vector<1x1x16xf32>,
      %get3A_388 = vector.shape_cast %get3A_387 : vector<1x1x16xf32> to vector<16xf32>
      %mul3A_389 = arith.mulf %get3A_82, %get3A_388 : vector<16xf32>
      %add3A_390 = arith.addf %add3A_381, %mul3A_389 : vector<16xf32>
      %get3A_391 = arith.constant 1 : i32
      %get3A_392 = arith.constant 15 : i32
      %get3A_393 = arith.index_cast %get3A_391 : i32 to index
      %get3A_394 = arith.index_cast %get3A_392 : i32 to index
      %get3A_395 = arith.constant 0 : index
      %get3A_396 = tpu.vector_load %arg7[%get3A_393, %get3A_394, %get3A_395] {strides = array<i32>} : memref<4x17x16xf32, #tpu.memory_space<vmem>>, vector<1x1x16xf32>,
      %get3A_397 = vector.shape_cast %get3A_396 : vector<1x1x16xf32> to vector<16xf32>
      %mul3A_398 = arith.mulf %get3A_87, %get3A_397 : vector<16xf32>
      %add3A_399 = arith.addf %add3A_390, %mul3A_398 : vector<16xf32>
      %get3A_400 = arith.constant 1 : i32
      %get3A_401 = arith.constant 16 : i32
      %get3A_402 = arith.index_cast %get3A_400 : i32 to index
      %get3A_403 = arith.index_cast %get3A_401 : i32 to index
      %get3A_404 = arith.constant 0 : index
      %get3A_405 = tpu.vector_load %arg7[%get3A_402, %get3A_403, %get3A_404] {strides = array<i32>} : memref<4x17x16xf32, #tpu.memory_space<vmem>>, vector<1x1x16xf32>,
      %get3A_406 = vector.shape_cast %get3A_405 : vector<1x1x16xf32> to vector<16xf32>
      %mul3A_407 = arith.mulf %get3A_92, %get3A_406 : vector<16xf32>
      %add3A_408 = arith.addf %add3A_399, %mul3A_407 : vector<16xf32>
      %get3A_409 = arith.constant 2 : i32
      %get3A_410 = arith.index_cast %get3A_409 : i32 to index
      %get3A_411 = arith.constant 0 : index
      %get3A_412 = tpu.vector_load %arg8[%get3A_410, %get3A_411] {strides = array<i32>} : memref<4x16xf32, #tpu.memory_space<vmem>>, vector<1x16xf32>,
      %get3A_413 = vector.shape_cast %get3A_412 : vector<1x16xf32> to vector<16xf32>
      %get3A_414 = arith.constant 2 : i32
      %get3A_415 = arith.constant 0 : i32
      %get3A_416 = arith.index_cast %get3A_414 : i32 to index
      %get3A_417 = arith.index_cast %get3A_415 : i32 to index
      %get3A_418 = arith.constant 0 : index
      %get3A_419 = tpu.vector_load %arg7[%get3A_416, %get3A_417, %get3A_418] {strides = array<i32>} : memref<4x17x16xf32, #tpu.memory_space<vmem>>, vector<1x1x16xf32>,
      %get3A_420 = vector.shape_cast %get3A_419 : vector<1x1x16xf32> to vector<16xf32>
      %mul3A_421 = arith.mulf %get3A_12, %get3A_420 : vector<16xf32>
      %add3A_422 = arith.addf %get3A_413, %mul3A_421 : vector<16xf32>
      %get3A_423 = arith.constant 2 : i32
      %get3A_424 = arith.constant 1 : i32
      %get3A_425 = arith.index_cast %get3A_423 : i32 to index
      %get3A_426 = arith.index_cast %get3A_424 : i32 to index
      %get3A_427 = arith.constant 0 : index
      %get3A_428 = tpu.vector_load %arg7[%get3A_425, %get3A_426, %get3A_427] {strides = array<i32>} : memref<4x17x16xf32, #tpu.memory_space<vmem>>, vector<1x1x16xf32>,
      %get3A_429 = vector.shape_cast %get3A_428 : vector<1x1x16xf32> to vector<16xf32>
      %mul3A_430 = arith.mulf %get3A_17, %get3A_429 : vector<16xf32>
      %add3A_431 = arith.addf %add3A_422, %mul3A_430 : vector<16xf32>
      %get3A_432 = arith.constant 2 : i32
      %get3A_433 = arith.constant 2 : i32
      %get3A_434 = arith.index_cast %get3A_432 : i32 to index
      %get3A_435 = arith.index_cast %get3A_433 : i32 to index
      %get3A_436 = arith.constant 0 : index
      %get3A_437 = tpu.vector_load %arg7[%get3A_434, %get3A_435, %get3A_436] {strides = array<i32>} : memref<4x17x16xf32, #tpu.memory_space<vmem>>, vector<1x1x16xf32>,
      %get3A_438 = vector.shape_cast %get3A_437 : vector<1x1x16xf32> to vector<16xf32>
      %mul3A_439 = arith.mulf %get3A_22, %get3A_438 : vector<16xf32>
      %add3A_440 = arith.addf %add3A_431, %mul3A_439 : vector<16xf32>
      %get3A_441 = arith.constant 2 : i32
      %get3A_442 = arith.constant 3 : i32
      %get3A_443 = arith.index_cast %get3A_441 : i32 to index
      %get3A_444 = arith.index_cast %get3A_442 : i32 to index
      %get3A_445 = arith.constant 0 : index
      %get3A_446 = tpu.vector_load %arg7[%get3A_443, %get3A_444, %get3A_445] {strides = array<i32>} : memref<4x17x16xf32, #tpu.memory_space<vmem>>, vector<1x1x16xf32>,
      %get3A_447 = vector.shape_cast %get3A_446 : vector<1x1x16xf32> to vector<16xf32>
      %mul3A_448 = arith.mulf %get3A_27, %get3A_447 : vector<16xf32>
      %add3A_449 = arith.addf %add3A_440, %mul3A_448 : vector<16xf32>
      %get3A_450 = arith.constant 2 : i32
      %get3A_451 = arith.constant 4 : i32
      %get3A_452 = arith.index_cast %get3A_450 : i32 to index
      %get3A_453 = arith.index_cast %get3A_451 : i32 to index
      %get3A_454 = arith.constant 0 : index
      %get3A_455 = tpu.vector_load %arg7[%get3A_452, %get3A_453, %get3A_454] {strides = array<i32>} : memref<4x17x16xf32, #tpu.memory_space<vmem>>, vector<1x1x16xf32>,
      %get3A_456 = vector.shape_cast %get3A_455 : vector<1x1x16xf32> to vector<16xf32>
      %mul3A_457 = arith.mulf %get3A_32, %get3A_456 : vector<16xf32>
      %add3A_458 = arith.addf %add3A_449, %mul3A_457 : vector<16xf32>
      %get3A_459 = arith.constant 2 : i32
      %get3A_460 = arith.constant 5 : i32
      %get3A_461 = arith.index_cast %get3A_459 : i32 to index
      %get3A_462 = arith.index_cast %get3A_460 : i32 to index
      %get3A_463 = arith.constant 0 : index
      %get3A_464 = tpu.vector_load %arg7[%get3A_461, %get3A_462, %get3A_463] {strides = array<i32>} : memref<4x17x16xf32, #tpu.memory_space<vmem>>, vector<1x1x16xf32>,
      %get3A_465 = vector.shape_cast %get3A_464 : vector<1x1x16xf32> to vector<16xf32>
      %mul3A_466 = arith.mulf %get3A_37, %get3A_465 : vector<16xf32>
      %add3A_467 = arith.addf %add3A_458, %mul3A_466 : vector<16xf32>
      %get3A_468 = arith.constant 2 : i32
      %get3A_469 = arith.constant 6 : i32
      %get3A_470 = arith.index_cast %get3A_468 : i32 to index
      %get3A_471 = arith.index_cast %get3A_469 : i32 to index
      %get3A_472 = arith.constant 0 : index
      %get3A_473 = tpu.vector_load %arg7[%get3A_470, %get3A_471, %get3A_472] {strides = array<i32>} : memref<4x17x16xf32, #tpu.memory_space<vmem>>, vector<1x1x16xf32>,
      %get3A_474 = vector.shape_cast %get3A_473 : vector<1x1x16xf32> to vector<16xf32>
      %mul3A_475 = arith.mulf %get3A_42, %get3A_474 : vector<16xf32>
      %add3A_476 = arith.addf %add3A_467, %mul3A_475 : vector<16xf32>
      %get3A_477 = arith.constant 2 : i32
      %get3A_478 = arith.constant 7 : i32
      %get3A_479 = arith.index_cast %get3A_477 : i32 to index
      %get3A_480 = arith.index_cast %get3A_478 : i32 to index
      %get3A_481 = arith.constant 0 : index
      %get3A_482 = tpu.vector_load %arg7[%get3A_479, %get3A_480, %get3A_481] {strides = array<i32>} : memref<4x17x16xf32, #tpu.memory_space<vmem>>, vector<1x1x16xf32>,
      %get3A_483 = vector.shape_cast %get3A_482 : vector<1x1x16xf32> to vector<16xf32>
      %mul3A_484 = arith.mulf %get3A_47, %get3A_483 : vector<16xf32>
      %add3A_485 = arith.addf %add3A_476, %mul3A_484 : vector<16xf32>
      %get3A_486 = arith.constant 2 : i32
      %get3A_487 = arith.constant 8 : i32
      %get3A_488 = arith.index_cast %get3A_486 : i32 to index
      %get3A_489 = arith.index_cast %get3A_487 : i32 to index
      %get3A_490 = arith.constant 0 : index
      %get3A_491 = tpu.vector_load %arg7[%get3A_488, %get3A_489, %get3A_490] {strides = array<i32>} : memref<4x17x16xf32, #tpu.memory_space<vmem>>, vector<1x1x16xf32>,
      %get3A_492 = vector.shape_cast %get3A_491 : vector<1x1x16xf32> to vector<16xf32>
      %mul3A_493 = arith.mulf %get3A_52, %get3A_492 : vector<16xf32>
      %add3A_494 = arith.addf %add3A_485, %mul3A_493 : vector<16xf32>
      %get3A_495 = arith.constant 2 : i32
      %get3A_496 = arith.constant 9 : i32
      %get3A_497 = arith.index_cast %get3A_495 : i32 to index
      %get3A_498 = arith.index_cast %get3A_496 : i32 to index
      %get3A_499 = arith.constant 0 : index
      %get3A_500 = tpu.vector_load %arg7[%get3A_497, %get3A_498, %get3A_499] {strides = array<i32>} : memref<4x17x16xf32, #tpu.memory_space<vmem>>, vector<1x1x16xf32>,
      %get3A_501 = vector.shape_cast %get3A_500 : vector<1x1x16xf32> to vector<16xf32>
      %mul3A_502 = arith.mulf %get3A_57, %get3A_501 : vector<16xf32>
      %add3A_503 = arith.addf %add3A_494, %mul3A_502 : vector<16xf32>
      %get3A_504 = arith.constant 2 : i32
      %get3A_505 = arith.constant 10 : i32
      %get3A_506 = arith.index_cast %get3A_504 : i32 to index
      %get3A_507 = arith.index_cast %get3A_505 : i32 to index
      %get3A_508 = arith.constant 0 : index
      %get3A_509 = tpu.vector_load %arg7[%get3A_506, %get3A_507, %get3A_508] {strides = array<i32>} : memref<4x17x16xf32, #tpu.memory_space<vmem>>, vector<1x1x16xf32>,
      %get3A_510 = vector.shape_cast %get3A_509 : vector<1x1x16xf32> to vector<16xf32>
      %mul3A_511 = arith.mulf %get3A_62, %get3A_510 : vector<16xf32>
      %add3A_512 = arith.addf %add3A_503, %mul3A_511 : vector<16xf32>
      %get3A_513 = arith.constant 2 : i32
      %get3A_514 = arith.constant 11 : i32
      %get3A_515 = arith.index_cast %get3A_513 : i32 to index
      %get3A_516 = arith.index_cast %get3A_514 : i32 to index
      %get3A_517 = arith.constant 0 : index
      %get3A_518 = tpu.vector_load %arg7[%get3A_515, %get3A_516, %get3A_517] {strides = array<i32>} : memref<4x17x16xf32, #tpu.memory_space<vmem>>, vector<1x1x16xf32>,
      %get3A_519 = vector.shape_cast %get3A_518 : vector<1x1x16xf32> to vector<16xf32>
      %mul3A_520 = arith.mulf %get3A_67, %get3A_519 : vector<16xf32>
      %add3A_521 = arith.addf %add3A_512, %mul3A_520 : vector<16xf32>
      %get3A_522 = arith.constant 2 : i32
      %get3A_523 = arith.constant 12 : i32
      %get3A_524 = arith.index_cast %get3A_522 : i32 to index
      %get3A_525 = arith.index_cast %get3A_523 : i32 to index
      %get3A_526 = arith.constant 0 : index
      %get3A_527 = tpu.vector_load %arg7[%get3A_524, %get3A_525, %get3A_526] {strides = array<i32>} : memref<4x17x16xf32, #tpu.memory_space<vmem>>, vector<1x1x16xf32>,
      %get3A_528 = vector.shape_cast %get3A_527 : vector<1x1x16xf32> to vector<16xf32>
      %mul3A_529 = arith.mulf %get3A_72, %get3A_528 : vector<16xf32>
      %add3A_530 = arith.addf %add3A_521, %mul3A_529 : vector<16xf32>
      %get3A_531 = arith.constant 2 : i32
      %get3A_532 = arith.constant 13 : i32
      %get3A_533 = arith.index_cast %get3A_531 : i32 to index
      %get3A_534 = arith.index_cast %get3A_532 : i32 to index
      %get3A_535 = arith.constant 0 : index
      %get3A_536 = tpu.vector_load %arg7[%get3A_533, %get3A_534, %get3A_535] {strides = array<i32>} : memref<4x17x16xf32, #tpu.memory_space<vmem>>, vector<1x1x16xf32>,
      %get3A_537 = vector.shape_cast %get3A_536 : vector<1x1x16xf32> to vector<16xf32>
      %mul3A_538 = arith.mulf %get3A_77, %get3A_537 : vector<16xf32>
      %add3A_539 = arith.addf %add3A_530, %mul3A_538 : vector<16xf32>
      %get3A_540 = arith.constant 2 : i32
      %get3A_541 = arith.constant 14 : i32
      %get3A_542 = arith.index_cast %get3A_540 : i32 to index
      %get3A_543 = arith.index_cast %get3A_541 : i32 to index
      %get3A_544 = arith.constant 0 : index
      %get3A_545 = tpu.vector_load %arg7[%get3A_542, %get3A_543, %get3A_544] {strides = array<i32>} : memref<4x17x16xf32, #tpu.memory_space<vmem>>, vector<1x1x16xf32>,
      %get3A_546 = vector.shape_cast %get3A_545 : vector<1x1x16xf32> to vector<16xf32>
      %mul3A_547 = arith.mulf %get3A_82, %get3A_546 : vector<16xf32>
      %add3A_548 = arith.addf %add3A_539, %mul3A_547 : vector<16xf32>
      %get3A_549 = arith.constant 2 : i32
      %get3A_550 = arith.constant 15 : i32
      %get3A_551 = arith.index_cast %get3A_549 : i32 to index
      %get3A_552 = arith.index_cast %get3A_550 : i32 to index
      %get3A_553 = arith.constant 0 : index
      %get3A_554 = tpu.vector_load %arg7[%get3A_551, %get3A_552, %get3A_553] {strides = array<i32>} : memref<4x17x16xf32, #tpu.memory_space<vmem>>, vector<1x1x16xf32>,
      %get3A_555 = vector.shape_cast %get3A_554 : vector<1x1x16xf32> to vector<16xf32>
      %mul3A_556 = arith.mulf %get3A_87, %get3A_555 : vector<16xf32>
      %add3A_557 = arith.addf %add3A_548, %mul3A_556 : vector<16xf32>
      %get3A_558 = arith.constant 2 : i32
      %get3A_559 = arith.constant 16 : i32
      %get3A_560 = arith.index_cast %get3A_558 : i32 to index
      %get3A_561 = arith.index_cast %get3A_559 : i32 to index
      %get3A_562 = arith.constant 0 : index
      %get3A_563 = tpu.vector_load %arg7[%get3A_560, %get3A_561, %get3A_562] {strides = array<i32>} : memref<4x17x16xf32, #tpu.memory_space<vmem>>, vector<1x1x16xf32>,
      %get3A_564 = vector.shape_cast %get3A_563 : vector<1x1x16xf32> to vector<16xf32>
      %mul3A_565 = arith.mulf %get3A_92, %get3A_564 : vector<16xf32>
      %add3A_566 = arith.addf %add3A_557, %mul3A_565 : vector<16xf32>
      %get3A_567 = arith.constant 3 : i32
      %get3A_568 = arith.index_cast %get3A_567 : i32 to index
      %get3A_569 = arith.constant 0 : index
      %get3A_570 = tpu.vector_load %arg8[%get3A_568, %get3A_569] {strides = array<i32>} : memref<4x16xf32, #tpu.memory_space<vmem>>, vector<1x16xf32>,
      %get3A_571 = vector.shape_cast %get3A_570 : vector<1x16xf32> to vector<16xf32>
      %get3A_572 = arith.constant 3 : i32
      %get3A_573 = arith.constant 0 : i32
      %get3A_574 = arith.index_cast %get3A_572 : i32 to index
      %get3A_575 = arith.index_cast %get3A_573 : i32 to index
      %get3A_576 = arith.constant 0 : index
      %get3A_577 = tpu.vector_load %arg7[%get3A_574, %get3A_575, %get3A_576] {strides = array<i32>} : memref<4x17x16xf32, #tpu.memory_space<vmem>>, vector<1x1x16xf32>,
      %get3A_578 = vector.shape_cast %get3A_577 : vector<1x1x16xf32> to vector<16xf32>
      %mul3A_579 = arith.mulf %get3A_12, %get3A_578 : vector<16xf32>
      %add3A_580 = arith.addf %get3A_571, %mul3A_579 : vector<16xf32>
      %get3A_581 = arith.constant 3 : i32
      %get3A_582 = arith.constant 1 : i32
      %get3A_583 = arith.index_cast %get3A_581 : i32 to index
      %get3A_584 = arith.index_cast %get3A_582 : i32 to index
      %get3A_585 = arith.constant 0 : index
      %get3A_586 = tpu.vector_load %arg7[%get3A_583, %get3A_584, %get3A_585] {strides = array<i32>} : memref<4x17x16xf32, #tpu.memory_space<vmem>>, vector<1x1x16xf32>,
      %get3A_587 = vector.shape_cast %get3A_586 : vector<1x1x16xf32> to vector<16xf32>
      %mul3A_588 = arith.mulf %get3A_17, %get3A_587 : vector<16xf32>
      %add3A_589 = arith.addf %add3A_580, %mul3A_588 : vector<16xf32>
      %get3A_590 = arith.constant 3 : i32
      %get3A_591 = arith.constant 2 : i32
      %get3A_592 = arith.index_cast %get3A_590 : i32 to index
      %get3A_593 = arith.index_cast %get3A_591 : i32 to index
      %get3A_594 = arith.constant 0 : index
      %get3A_595 = tpu.vector_load %arg7[%get3A_592, %get3A_593, %get3A_594] {strides = array<i32>} : memref<4x17x16xf32, #tpu.memory_space<vmem>>, vector<1x1x16xf32>,
      %get3A_596 = vector.shape_cast %get3A_595 : vector<1x1x16xf32> to vector<16xf32>
      %mul3A_597 = arith.mulf %get3A_22, %get3A_596 : vector<16xf32>
      %add3A_598 = arith.addf %add3A_589, %mul3A_597 : vector<16xf32>
      %get3A_599 = arith.constant 3 : i32
      %get3A_600 = arith.constant 3 : i32
      %get3A_601 = arith.index_cast %get3A_599 : i32 to index
      %get3A_602 = arith.index_cast %get3A_600 : i32 to index
      %get3A_603 = arith.constant 0 : index
      %get3A_604 = tpu.vector_load %arg7[%get3A_601, %get3A_602, %get3A_603] {strides = array<i32>} : memref<4x17x16xf32, #tpu.memory_space<vmem>>, vector<1x1x16xf32>,
      %get3A_605 = vector.shape_cast %get3A_604 : vector<1x1x16xf32> to vector<16xf32>
      %mul3A_606 = arith.mulf %get3A_27, %get3A_605 : vector<16xf32>
      %add3A_607 = arith.addf %add3A_598, %mul3A_606 : vector<16xf32>
      %get3A_608 = arith.constant 3 : i32
      %get3A_609 = arith.constant 4 : i32
      %get3A_610 = arith.index_cast %get3A_608 : i32 to index
      %get3A_611 = arith.index_cast %get3A_609 : i32 to index
      %get3A_612 = arith.constant 0 : index
      %get3A_613 = tpu.vector_load %arg7[%get3A_610, %get3A_611, %get3A_612] {strides = array<i32>} : memref<4x17x16xf32, #tpu.memory_space<vmem>>, vector<1x1x16xf32>,
      %get3A_614 = vector.shape_cast %get3A_613 : vector<1x1x16xf32> to vector<16xf32>
      %mul3A_615 = arith.mulf %get3A_32, %get3A_614 : vector<16xf32>
      %add3A_616 = arith.addf %add3A_607, %mul3A_615 : vector<16xf32>
      %get3A_617 = arith.constant 3 : i32
      %get3A_618 = arith.constant 5 : i32
      %get3A_619 = arith.index_cast %get3A_617 : i32 to index
      %get3A_620 = arith.index_cast %get3A_618 : i32 to index
      %get3A_621 = arith.constant 0 : index
      %get3A_622 = tpu.vector_load %arg7[%get3A_619, %get3A_620, %get3A_621] {strides = array<i32>} : memref<4x17x16xf32, #tpu.memory_space<vmem>>, vector<1x1x16xf32>,
      %get3A_623 = vector.shape_cast %get3A_622 : vector<1x1x16xf32> to vector<16xf32>
      %mul3A_624 = arith.mulf %get3A_37, %get3A_623 : vector<16xf32>
      %add3A_625 = arith.addf %add3A_616, %mul3A_624 : vector<16xf32>
      %get3A_626 = arith.constant 3 : i32
      %get3A_627 = arith.constant 6 : i32
      %get3A_628 = arith.index_cast %get3A_626 : i32 to index
      %get3A_629 = arith.index_cast %get3A_627 : i32 to index
      %get3A_630 = arith.constant 0 : index
      %get3A_631 = tpu.vector_load %arg7[%get3A_628, %get3A_629, %get3A_630] {strides = array<i32>} : memref<4x17x16xf32, #tpu.memory_space<vmem>>, vector<1x1x16xf32>,
      %get3A_632 = vector.shape_cast %get3A_631 : vector<1x1x16xf32> to vector<16xf32>
      %mul3A_633 = arith.mulf %get3A_42, %get3A_632 : vector<16xf32>
      %add3A_634 = arith.addf %add3A_625, %mul3A_633 : vector<16xf32>
      %get3A_635 = arith.constant 3 : i32
      %get3A_636 = arith.constant 7 : i32
      %get3A_637 = arith.index_cast %get3A_635 : i32 to index
      %get3A_638 = arith.index_cast %get3A_636 : i32 to index
      %get3A_639 = arith.constant 0 : index
      %get3A_640 = tpu.vector_load %arg7[%get3A_637, %get3A_638, %get3A_639] {strides = array<i32>} : memref<4x17x16xf32, #tpu.memory_space<vmem>>, vector<1x1x16xf32>,
      %get3A_641 = vector.shape_cast %get3A_640 : vector<1x1x16xf32> to vector<16xf32>
      %mul3A_642 = arith.mulf %get3A_47, %get3A_641 : vector<16xf32>
      %add3A_643 = arith.addf %add3A_634, %mul3A_642 : vector<16xf32>
      %get3A_644 = arith.constant 3 : i32
      %get3A_645 = arith.constant 8 : i32
      %get3A_646 = arith.index_cast %get3A_644 : i32 to index
      %get3A_647 = arith.index_cast %get3A_645 : i32 to index
      %get3A_648 = arith.constant 0 : index
      %get3A_649 = tpu.vector_load %arg7[%get3A_646, %get3A_647, %get3A_648] {strides = array<i32>} : memref<4x17x16xf32, #tpu.memory_space<vmem>>, vector<1x1x16xf32>,
      %get3A_650 = vector.shape_cast %get3A_649 : vector<1x1x16xf32> to vector<16xf32>
      %mul3A_651 = arith.mulf %get3A_52, %get3A_650 : vector<16xf32>
      %add3A_652 = arith.addf %add3A_643, %mul3A_651 : vector<16xf32>
      %get3A_653 = arith.constant 3 : i32
      %get3A_654 = arith.constant 9 : i32
      %get3A_655 = arith.index_cast %get3A_653 : i32 to index
      %get3A_656 = arith.index_cast %get3A_654 : i32 to index
      %get3A_657 = arith.constant 0 : index
      %get3A_658 = tpu.vector_load %arg7[%get3A_655, %get3A_656, %get3A_657] {strides = array<i32>} : memref<4x17x16xf32, #tpu.memory_space<vmem>>, vector<1x1x16xf32>,
      %get3A_659 = vector.shape_cast %get3A_658 : vector<1x1x16xf32> to vector<16xf32>
      %mul3A_660 = arith.mulf %get3A_57, %get3A_659 : vector<16xf32>
      %add3A_661 = arith.addf %add3A_652, %mul3A_660 : vector<16xf32>
      %get3A_662 = arith.constant 3 : i32
      %get3A_663 = arith.constant 10 : i32
      %get3A_664 = arith.index_cast %get3A_662 : i32 to index
      %get3A_665 = arith.index_cast %get3A_663 : i32 to index
      %get3A_666 = arith.constant 0 : index
      %get3A_667 = tpu.vector_load %arg7[%get3A_664, %get3A_665, %get3A_666] {strides = array<i32>} : memref<4x17x16xf32, #tpu.memory_space<vmem>>, vector<1x1x16xf32>,
      %get3A_668 = vector.shape_cast %get3A_667 : vector<1x1x16xf32> to vector<16xf32>
      %mul3A_669 = arith.mulf %get3A_62, %get3A_668 : vector<16xf32>
      %add3A_670 = arith.addf %add3A_661, %mul3A_669 : vector<16xf32>
      %get3A_671 = arith.constant 3 : i32
      %get3A_672 = arith.constant 11 : i32
      %get3A_673 = arith.index_cast %get3A_671 : i32 to index
      %get3A_674 = arith.index_cast %get3A_672 : i32 to index
      %get3A_675 = arith.constant 0 : index
      %get3A_676 = tpu.vector_load %arg7[%get3A_673, %get3A_674, %get3A_675] {strides = array<i32>} : memref<4x17x16xf32, #tpu.memory_space<vmem>>, vector<1x1x16xf32>,
      %get3A_677 = vector.shape_cast %get3A_676 : vector<1x1x16xf32> to vector<16xf32>
      %mul3A_678 = arith.mulf %get3A_67, %get3A_677 : vector<16xf32>
      %add3A_679 = arith.addf %add3A_670, %mul3A_678 : vector<16xf32>
      %get3A_680 = arith.constant 3 : i32
      %get3A_681 = arith.constant 12 : i32
      %get3A_682 = arith.index_cast %get3A_680 : i32 to index
      %get3A_683 = arith.index_cast %get3A_681 : i32 to index
      %get3A_684 = arith.constant 0 : index
      %get3A_685 = tpu.vector_load %arg7[%get3A_682, %get3A_683, %get3A_684] {strides = array<i32>} : memref<4x17x16xf32, #tpu.memory_space<vmem>>, vector<1x1x16xf32>,
      %get3A_686 = vector.shape_cast %get3A_685 : vector<1x1x16xf32> to vector<16xf32>
      %mul3A_687 = arith.mulf %get3A_72, %get3A_686 : vector<16xf32>
      %add3A_688 = arith.addf %add3A_679, %mul3A_687 : vector<16xf32>
      %get3A_689 = arith.constant 3 : i32
      %get3A_690 = arith.constant 13 : i32
      %get3A_691 = arith.index_cast %get3A_689 : i32 to index
      %get3A_692 = arith.index_cast %get3A_690 : i32 to index
      %get3A_693 = arith.constant 0 : index
      %get3A_694 = tpu.vector_load %arg7[%get3A_691, %get3A_692, %get3A_693] {strides = array<i32>} : memref<4x17x16xf32, #tpu.memory_space<vmem>>, vector<1x1x16xf32>,
      %get3A_695 = vector.shape_cast %get3A_694 : vector<1x1x16xf32> to vector<16xf32>
      %mul3A_696 = arith.mulf %get3A_77, %get3A_695 : vector<16xf32>
      %add3A_697 = arith.addf %add3A_688, %mul3A_696 : vector<16xf32>
      %get3A_698 = arith.constant 3 : i32
      %get3A_699 = arith.constant 14 : i32
      %get3A_700 = arith.index_cast %get3A_698 : i32 to index
      %get3A_701 = arith.index_cast %get3A_699 : i32 to index
      %get3A_702 = arith.constant 0 : index
      %get3A_703 = tpu.vector_load %arg7[%get3A_700, %get3A_701, %get3A_702] {strides = array<i32>} : memref<4x17x16xf32, #tpu.memory_space<vmem>>, vector<1x1x16xf32>,
      %get3A_704 = vector.shape_cast %get3A_703 : vector<1x1x16xf32> to vector<16xf32>
      %mul3A_705 = arith.mulf %get3A_82, %get3A_704 : vector<16xf32>
      %add3A_706 = arith.addf %add3A_697, %mul3A_705 : vector<16xf32>
      %get3A_707 = arith.constant 3 : i32
      %get3A_708 = arith.constant 15 : i32
      %get3A_709 = arith.index_cast %get3A_707 : i32 to index
      %get3A_710 = arith.index_cast %get3A_708 : i32 to index
      %get3A_711 = arith.constant 0 : index
      %get3A_712 = tpu.vector_load %arg7[%get3A_709, %get3A_710, %get3A_711] {strides = array<i32>} : memref<4x17x16xf32, #tpu.memory_space<vmem>>, vector<1x1x16xf32>,
      %get3A_713 = vector.shape_cast %get3A_712 : vector<1x1x16xf32> to vector<16xf32>
      %mul3A_714 = arith.mulf %get3A_87, %get3A_713 : vector<16xf32>
      %add3A_715 = arith.addf %add3A_706, %mul3A_714 : vector<16xf32>
      %get3A_716 = arith.constant 3 : i32
      %get3A_717 = arith.constant 16 : i32
      %get3A_718 = arith.index_cast %get3A_716 : i32 to index
      %get3A_719 = arith.index_cast %get3A_717 : i32 to index
      %get3A_720 = arith.constant 0 : index
      %get3A_721 = tpu.vector_load %arg7[%get3A_718, %get3A_719, %get3A_720] {strides = array<i32>} : memref<4x17x16xf32, #tpu.memory_space<vmem>>, vector<1x1x16xf32>,
      %get3A_722 = vector.shape_cast %get3A_721 : vector<1x1x16xf32> to vector<16xf32>
      %mul3A_723 = arith.mulf %get3A_92, %get3A_722 : vector<16xf32>
      %add3A_724 = arith.addf %add3A_715, %mul3A_723 : vector<16xf32>
      %max3A = arith.maximumf %add3A_250, %add3A_408 : vector<16xf32>
      %max3A_725 = arith.maximumf %add3A_566, %add3A_724 : vector<16xf32>
      %max3A_726 = arith.maximumf %max3A, %max3A_725 : vector<16xf32>
      %sub3A = arith.subf %add3A_250, %max3A_726 : vector<16xf32>
      %exp3A = math.exp %sub3A : vector<16xf32>
      %sub3A_727 = arith.subf %add3A_408, %max3A_726 : vector<16xf32>
      %exp3A_728 = math.exp %sub3A_727 : vector<16xf32>
      %sub3A_729 = arith.subf %add3A_566, %max3A_726 : vector<16xf32>
      %exp3A_730 = math.exp %sub3A_729 : vector<16xf32>
      %sub3A_731 = arith.subf %add3A_724, %max3A_726 : vector<16xf32>
      %exp3A_732 = math.exp %sub3A_731 : vector<16xf32>
      %add3A_733 = arith.addf %exp3A, %exp3A_728 : vector<16xf32>
      %add3A_734 = arith.addf %add3A_733, %exp3A_730 : vector<16xf32>
      %add3A_735 = arith.addf %add3A_734, %exp3A_732 : vector<16xf32>
      %div3A = arith.divf %exp3A, %add3A_735 : vector<16xf32>
      %swap3A = arith.constant 0 : i32
      %swap3A_736 = arith.index_cast %swap3A : i32 to index
      %swap3A_737 = arith.index_cast %mul3A_8 : i32 to index
      %swap3A_738 = tpu.vector_load %arg9[%swap3A_736, %swap3A_737] {strides = array<i32>} : memref<4x1024xf32, #tpu.memory_space<vmem>>, vector<1x16xf32>,
      %swap3A_739 = vector.shape_cast %swap3A_738 : vector<1x16xf32> to vector<16xf32>
      %swap3A_740 = vector.shape_cast %div3A : vector<16xf32> to vector<1x16xf32>
      tpu.vector_store %arg9[%swap3A_736, %swap3A_737], %swap3A_740 {strides = array<i32>} : memref<4x1024xf32, #tpu.memory_space<vmem>>, vector<1x16xf32>,
      %div3A_741 = arith.divf %exp3A_728, %add3A_735 : vector<16xf32>
      %swap3A_742 = arith.constant 1 : i32
      %swap3A_743 = arith.index_cast %swap3A_742 : i32 to index
      %swap3A_744 = arith.index_cast %mul3A_8 : i32 to index
      %swap3A_745 = tpu.vector_load %arg9[%swap3A_743, %swap3A_744] {strides = array<i32>} : memref<4x1024xf32, #tpu.memory_space<vmem>>, vector<1x16xf32>,
      %swap3A_746 = vector.shape_cast %swap3A_745 : vector<1x16xf32> to vector<16xf32>
      %swap3A_747 = vector.shape_cast %div3A_741 : vector<16xf32> to vector<1x16xf32>
      tpu.vector_store %arg9[%swap3A_743, %swap3A_744], %swap3A_747 {strides = array<i32>} : memref<4x1024xf32, #tpu.memory_space<vmem>>, vector<1x16xf32>,
      %div3A_748 = arith.divf %exp3A_730, %add3A_735 : vector<16xf32>
      %swap3A_749 = arith.constant 2 : i32
      %swap3A_750 = arith.index_cast %swap3A_749 : i32 to index
      %swap3A_751 = arith.index_cast %mul3A_8 : i32 to index
      %swap3A_752 = tpu.vector_load %arg9[%swap3A_750, %swap3A_751] {strides = array<i32>} : memref<4x1024xf32, #tpu.memory_space<vmem>>, vector<1x16xf32>,
      %swap3A_753 = vector.shape_cast %swap3A_752 : vector<1x16xf32> to vector<16xf32>
      %swap3A_754 = vector.shape_cast %div3A_748 : vector<16xf32> to vector<1x16xf32>
      tpu.vector_store %arg9[%swap3A_750, %swap3A_751], %swap3A_754 {strides = array<i32>} : memref<4x1024xf32, #tpu.memory_space<vmem>>, vector<1x16xf32>,
      %div3A_755 = arith.divf %exp3A_732, %add3A_735 : vector<16xf32>
      %swap3A_756 = arith.constant 3 : i32
      %swap3A_757 = arith.index_cast %swap3A_756 : i32 to index
      %swap3A_758 = arith.index_cast %mul3A_8 : i32 to index
      %swap3A_759 = tpu.vector_load %arg9[%swap3A_757, %swap3A_758] {strides = array<i32>} : memref<4x1024xf32, #tpu.memory_space<vmem>>, vector<1x16xf32>,
      %swap3A_760 = vector.shape_cast %swap3A_759 : vector<1x16xf32> to vector<16xf32>
      %swap3A_761 = vector.shape_cast %div3A_755 : vector<16xf32> to vector<1x16xf32>
      tpu.vector_store %arg9[%swap3A_757, %swap3A_758], %swap3A_761 {strides = array<i32>} : memref<4x1024xf32, #tpu.memory_space<vmem>>, vector<1x16xf32>,
    }
    %scan3A_5 = arith.constant 64 : i32
    "tpu.region"() ({
      %run_scoped3A = tpu.sem_alloc : memref<!tpu.dma_semaphore, #tpu.memory_space<semaphore_mem>>
      %dma_start3A = arith.constant 0 : i32
      %dma_start3A_6 = arith.constant 0 : i32
      %dma_start3A_7 = tpu.memref_slice %arg5[%add3A, %dma_start3A, %dma_start3A_6] : memref<32x4x1024xf32, #tpu.memory_space<hbm>> -> memref<1x4x1024xf32, #tpu.memory_space<hbm>>
      %dma_start3A_8 = tpu.memref_squeeze %dma_start3A_7 : memref<1x4x1024xf32, #tpu.memory_space<hbm>> -> memref<4x1024xf32, #tpu.memory_space<hbm>>
      %dma_start3A_9 = arith.constant 0 : i32
      %dma_start3A_10 = arith.constant 0 : i32
      %dma_start3A_11 = tpu.memref_slice %arg5[%add3A, %dma_start3A_9, %dma_start3A_10] : memref<32x4x1024xf32, #tpu.memory_space<hbm>> -> memref<1x4x1024xf32, #tpu.memory_space<hbm>>
      %dma_start3A_12 = tpu.memref_squeeze %dma_start3A_11 : memref<1x4x1024xf32, #tpu.memory_space<hbm>> -> memref<4x1024xf32, #tpu.memory_space<hbm>>
      tpu.enqueue_dma source(%arg9 : memref<4x1024xf32, #tpu.memory_space<vmem>>) target(%dma_start3A_12 : memref<4x1024xf32, #tpu.memory_space<hbm>>) target_semaphore(%run_scoped3A : memref<!tpu.dma_semaphore, #tpu.memory_space<semaphore_mem>>)
      %dma_wait3A = arith.constant 0 : i32
      %dma_wait3A_13 = arith.constant 0 : i32
      %dma_wait3A_14 = tpu.memref_slice %arg5[%add3A, %dma_wait3A, %dma_wait3A_13] : memref<32x4x1024xf32, #tpu.memory_space<hbm>> -> memref<1x4x1024xf32, #tpu.memory_space<hbm>>
      %dma_wait3A_15 = tpu.memref_squeeze %dma_wait3A_14 : memref<1x4x1024xf32, #tpu.memory_space<hbm>> -> memref<4x1024xf32, #tpu.memory_space<hbm>>
      %dma_wait3A_16 = arith.constant 0 : i32
      %dma_wait3A_17 = arith.constant 0 : i32
      %dma_wait3A_18 = tpu.memref_slice %arg5[%add3A, %dma_wait3A_16, %dma_wait3A_17] : memref<32x4x1024xf32, #tpu.memory_space<hbm>> -> memref<1x4x1024xf32, #tpu.memory_space<hbm>>
      %dma_wait3A_19 = tpu.memref_squeeze %dma_wait3A_18 : memref<1x4x1024xf32, #tpu.memory_space<hbm>> -> memref<4x1024xf32, #tpu.memory_space<hbm>>
      tpu.wait_dma2 semaphore(%run_scoped3A : memref<!tpu.dma_semaphore, #tpu.memory_space<semaphore_mem>>) src(%arg9 : memref<4x1024xf32, #tpu.memory_space<vmem>>) dst(%dma_wait3A_19 : memref<4x1024xf32, #tpu.memory_space<hbm>>)
      tpu.yield
    }) : () -> ()
    return
  }
}

module attributes {stable_mosaic.version = 14 : i64} {
  func.func @_tc_body(%arg0: i32, %arg1: memref<1x4096xf32, #tpu.memory_space<vmem>>, %arg2: memref<16x4096xf32, #tpu.memory_space<vmem>>, %arg3: memref<4x17xf32, #tpu.memory_space<vmem>>, %arg4: memref<4x1xf32, #tpu.memory_space<vmem>>, %arg5: memref<64x256xf32, #tpu.memory_space<vmem>>, %arg6: memref<4096x256xf32, #tpu.memory_space<vmem>>, %arg7: memref<4x4096xf32, #tpu.memory_space<vmem>>) attributes {dimension_semantics = [#tpu.dimension_semantics<arbitrary>], iteration_bounds = array<i64: 8>, scalar_prefetch = 0 : i64, scratch_operands = 0 : i64, tpu.core_type = #tpu.core_type<tc>, window_params = [{transform_indices = @transform_0, window_bounds = array<i64: 1, 4096>}, {transform_indices = @transform_1, window_bounds = array<i64: 16, 4096>}, {pipeline_mode = #tpu.pipeline_mode<synchronous>, transform_indices = @transform_2, window_bounds = array<i64: 4, 17>}, {pipeline_mode = #tpu.pipeline_mode<synchronous>, transform_indices = @transform_3, window_bounds = array<i64: 4, 1>}, {pipeline_mode = #tpu.pipeline_mode<synchronous>, transform_indices = @transform_4, window_bounds = array<i64: 64, 256>}, {transform_indices = @transform_5, window_bounds = array<i64: 4096, 256>}, {transform_indices = @transform_6, window_bounds = array<i64: 4, 4096>}]} {
    %get3A = arith.constant 0 : index
    %get3A_0 = arith.constant 0 : index
    %get3A_1 = vector.load %arg1[%get3A, %get3A_0] : memref<1x4096xf32, #tpu.memory_space<vmem>>, vector<1x4096xf32>
    %get3A_2 = arith.constant 0 : index
    %get3A_3 = arith.constant 0 : index
    %get3A_4 = vector.load %arg2[%get3A_2, %get3A_3] : memref<16x4096xf32, #tpu.memory_space<vmem>>, vector<16x4096xf32>
    %concatenate3A = tpu.concatenate %get3A_1, %get3A_4 in 0 : vector<1x4096xf32>, vector<16x4096xf32> -> vector<17x4096xf32>
    %get3A_5 = arith.constant 0 : index
    %get3A_6 = arith.constant 0 : index
    %get3A_7 = vector.load %arg3[%get3A_5, %get3A_6] : memref<4x17xf32, #tpu.memory_space<vmem>>, vector<4x17xf32>
    %dot_general3A = arith.constant dense<0.000000e+00> : vector<4x4096xf32>
    %dot_general3A_8 = tpu.matmul %get3A_7, %concatenate3A, %dot_general3A {dimension_numbers = #tpu.dot_dimension_numbers<[1], [0], [0], [1], [0, 0, 1, 1], [], []>, transpose_lhs_hint = false} : vector<4x17xf32>, vector<17x4096xf32>, vector<4x4096xf32> -> vector<4x4096xf32>
    %get3A_9 = arith.constant 0 : index
    %get3A_10 = arith.constant 0 : index
    %get3A_11 = vector.load %arg4[%get3A_9, %get3A_10] : memref<4x1xf32, #tpu.memory_space<vmem>>, vector<4x1xf32>
    %add3A = vector.broadcast %get3A_11 : vector<4x1xf32> to vector<4x4096xf32>
    %add3A_12 = arith.addf %dot_general3A_8, %add3A : vector<4x4096xf32>
    %reduce_max3A = arith.constant dense<0xFF800000> : vector<4096xf32>
    %reduce_max3A_13 = vector.multi_reduction <maximumf>, %add3A_12, %reduce_max3A [0] : vector<4x4096xf32> to vector<4096xf32>
    %broadcast_in_dim3A = vector.shape_cast %reduce_max3A_13 : vector<4096xf32> to vector<1x4096xf32>
    %sub3A = vector.broadcast %broadcast_in_dim3A : vector<1x4096xf32> to vector<4x4096xf32>
    %sub3A_14 = arith.subf %add3A_12, %sub3A : vector<4x4096xf32>
    %exp3A = math.exp %sub3A_14 : vector<4x4096xf32>
    %reduce_sum3A = arith.constant dense<0.000000e+00> : vector<4096xf32>
    %reduce_sum3A_15 = vector.multi_reduction <add>, %exp3A, %reduce_sum3A [0] : vector<4x4096xf32> to vector<4096xf32>
    %broadcast_in_dim3A_16 = vector.shape_cast %reduce_sum3A_15 : vector<4096xf32> to vector<1x4096xf32>
    %div3A = vector.broadcast %broadcast_in_dim3A_16 : vector<1x4096xf32> to vector<4x4096xf32>
    %div3A_17 = arith.divf %exp3A, %div3A : vector<4x4096xf32>
    %slice3A = vector.extract_strided_slice %div3A_17 {offsets = [0, 0], sizes = [1, 4096], strides = [1, 1]} : vector<4x4096xf32> to vector<1x4096xf32>
    %slice3A_18 = vector.extract_strided_slice %div3A_17 {offsets = [1, 0], sizes = [1, 4096], strides = [1, 1]} : vector<4x4096xf32> to vector<1x4096xf32>
    %slice3A_19 = vector.extract_strided_slice %div3A_17 {offsets = [2, 0], sizes = [1, 4096], strides = [1, 1]} : vector<4x4096xf32> to vector<1x4096xf32>
    %slice3A_20 = vector.extract_strided_slice %div3A_17 {offsets = [3, 0], sizes = [1, 4096], strides = [1, 1]} : vector<4x4096xf32> to vector<1x4096xf32>
    %max3A = arith.maximumf %slice3A, %slice3A_18 : vector<1x4096xf32>
    %max3A_21 = arith.maximumf %slice3A_19, %slice3A_20 : vector<1x4096xf32>
    %max3A_22 = arith.maximumf %max3A, %max3A_21 : vector<1x4096xf32>
    %eq3A = arith.cmpf oeq, %slice3A, %max3A_22 : vector<1x4096xf32>
    %jit3A = arith.constant 1.000000e+00 : f32
    %jit3A_23 = arith.constant 0.000000e+00 : f32
    %broadcast_in_dim3A_24 = vector.broadcast %jit3A : f32 to vector<1x4096xf32>
    %broadcast_in_dim3A_25 = vector.broadcast %jit3A_23 : f32 to vector<1x4096xf32>
    %select_n3A = arith.select %eq3A, %broadcast_in_dim3A_24, %broadcast_in_dim3A_25 : vector<1x4096xi1>, vector<1x4096xf32>
    %eq3A_26 = arith.cmpf oeq, %slice3A_18, %max3A_22 : vector<1x4096xf32>
    %jit3A_27 = arith.constant 1.000000e+00 : f32
    %jit3A_28 = arith.constant 0.000000e+00 : f32
    %broadcast_in_dim3A_29 = vector.broadcast %jit3A_27 : f32 to vector<1x4096xf32>
    %broadcast_in_dim3A_30 = vector.broadcast %jit3A_28 : f32 to vector<1x4096xf32>
    %select_n3A_31 = arith.select %eq3A_26, %broadcast_in_dim3A_29, %broadcast_in_dim3A_30 : vector<1x4096xi1>, vector<1x4096xf32>
    %eq3A_32 = arith.cmpf oeq, %slice3A_19, %max3A_22 : vector<1x4096xf32>
    %jit3A_33 = arith.constant 1.000000e+00 : f32
    %jit3A_34 = arith.constant 0.000000e+00 : f32
    %broadcast_in_dim3A_35 = vector.broadcast %jit3A_33 : f32 to vector<1x4096xf32>
    %broadcast_in_dim3A_36 = vector.broadcast %jit3A_34 : f32 to vector<1x4096xf32>
    %select_n3A_37 = arith.select %eq3A_32, %broadcast_in_dim3A_35, %broadcast_in_dim3A_36 : vector<1x4096xi1>, vector<1x4096xf32>
    %eq3A_38 = arith.cmpf oeq, %slice3A_20, %max3A_22 : vector<1x4096xf32>
    %jit3A_39 = arith.constant 1.000000e+00 : f32
    %jit3A_40 = arith.constant 0.000000e+00 : f32
    %broadcast_in_dim3A_41 = vector.broadcast %jit3A_39 : f32 to vector<1x4096xf32>
    %broadcast_in_dim3A_42 = vector.broadcast %jit3A_40 : f32 to vector<1x4096xf32>
    %select_n3A_43 = arith.select %eq3A_38, %broadcast_in_dim3A_41, %broadcast_in_dim3A_42 : vector<1x4096xi1>, vector<1x4096xf32>
    %sub3A_44 = arith.constant 1.000000e+00 : f32
    %sub3A_45 = vector.broadcast %sub3A_44 : f32 to vector<1x4096xf32>
    %sub3A_46 = arith.subf %sub3A_45, %select_n3A : vector<1x4096xf32>
    %mul3A = arith.mulf %select_n3A_31, %sub3A_46 : vector<1x4096xf32>
    %sub3A_47 = arith.constant 1.000000e+00 : f32
    %sub3A_48 = vector.broadcast %sub3A_47 : f32 to vector<1x4096xf32>
    %sub3A_49 = arith.subf %sub3A_48, %select_n3A : vector<1x4096xf32>
    %mul3A_50 = arith.mulf %select_n3A_37, %sub3A_49 : vector<1x4096xf32>
    %sub3A_51 = arith.constant 1.000000e+00 : f32
    %sub3A_52 = vector.broadcast %sub3A_51 : f32 to vector<1x4096xf32>
    %sub3A_53 = arith.subf %sub3A_52, %select_n3A_31 : vector<1x4096xf32>
    %mul3A_54 = arith.mulf %mul3A_50, %sub3A_53 : vector<1x4096xf32>
    %sub3A_55 = arith.constant 1.000000e+00 : f32
    %sub3A_56 = vector.broadcast %sub3A_55 : f32 to vector<1x4096xf32>
    %sub3A_57 = arith.subf %sub3A_56, %select_n3A : vector<1x4096xf32>
    %mul3A_58 = arith.mulf %select_n3A_43, %sub3A_57 : vector<1x4096xf32>
    %sub3A_59 = arith.constant 1.000000e+00 : f32
    %sub3A_60 = vector.broadcast %sub3A_59 : f32 to vector<1x4096xf32>
    %sub3A_61 = arith.subf %sub3A_60, %select_n3A_31 : vector<1x4096xf32>
    %mul3A_62 = arith.mulf %mul3A_58, %sub3A_61 : vector<1x4096xf32>
    %sub3A_63 = arith.constant 1.000000e+00 : f32
    %sub3A_64 = vector.broadcast %sub3A_63 : f32 to vector<1x4096xf32>
    %sub3A_65 = arith.subf %sub3A_64, %select_n3A_37 : vector<1x4096xf32>
    %mul3A_66 = arith.mulf %mul3A_62, %sub3A_65 : vector<1x4096xf32>
    %gt3A = arith.constant 5.000000e-01 : f32
    %gt3A_67 = vector.broadcast %gt3A : f32 to vector<1x4096xf32>
    %gt3A_68 = arith.cmpf ogt, %select_n3A, %gt3A_67 : vector<1x4096xf32>
    %jit3A_69 = arith.constant 0xFF800000 : f32
    %broadcast_in_dim3A_70 = vector.broadcast %jit3A_69 : f32 to vector<1x4096xf32>
    %select_n3A_71 = arith.select %gt3A_68, %broadcast_in_dim3A_70, %slice3A : vector<1x4096xi1>, vector<1x4096xf32>
    %gt3A_72 = arith.constant 5.000000e-01 : f32
    %gt3A_73 = vector.broadcast %gt3A_72 : f32 to vector<1x4096xf32>
    %gt3A_74 = arith.cmpf ogt, %mul3A, %gt3A_73 : vector<1x4096xf32>
    %jit3A_75 = arith.constant 0xFF800000 : f32
    %broadcast_in_dim3A_76 = vector.broadcast %jit3A_75 : f32 to vector<1x4096xf32>
    %select_n3A_77 = arith.select %gt3A_74, %broadcast_in_dim3A_76, %slice3A_18 : vector<1x4096xi1>, vector<1x4096xf32>
    %gt3A_78 = arith.constant 5.000000e-01 : f32
    %gt3A_79 = vector.broadcast %gt3A_78 : f32 to vector<1x4096xf32>
    %gt3A_80 = arith.cmpf ogt, %mul3A_54, %gt3A_79 : vector<1x4096xf32>
    %jit3A_81 = arith.constant 0xFF800000 : f32
    %broadcast_in_dim3A_82 = vector.broadcast %jit3A_81 : f32 to vector<1x4096xf32>
    %select_n3A_83 = arith.select %gt3A_80, %broadcast_in_dim3A_82, %slice3A_19 : vector<1x4096xi1>, vector<1x4096xf32>
    %gt3A_84 = arith.constant 5.000000e-01 : f32
    %gt3A_85 = vector.broadcast %gt3A_84 : f32 to vector<1x4096xf32>
    %gt3A_86 = arith.cmpf ogt, %mul3A_66, %gt3A_85 : vector<1x4096xf32>
    %jit3A_87 = arith.constant 0xFF800000 : f32
    %broadcast_in_dim3A_88 = vector.broadcast %jit3A_87 : f32 to vector<1x4096xf32>
    %select_n3A_89 = arith.select %gt3A_86, %broadcast_in_dim3A_88, %slice3A_20 : vector<1x4096xi1>, vector<1x4096xf32>
    %max3A_90 = arith.maximumf %select_n3A_71, %select_n3A_77 : vector<1x4096xf32>
    %max3A_91 = arith.maximumf %select_n3A_83, %select_n3A_89 : vector<1x4096xf32>
    %max3A_92 = arith.maximumf %max3A_90, %max3A_91 : vector<1x4096xf32>
    %eq3A_93 = arith.cmpf oeq, %select_n3A_71, %max3A_92 : vector<1x4096xf32>
    %jit3A_94 = arith.constant 1.000000e+00 : f32
    %jit3A_95 = arith.constant 0.000000e+00 : f32
    %broadcast_in_dim3A_96 = vector.broadcast %jit3A_94 : f32 to vector<1x4096xf32>
    %broadcast_in_dim3A_97 = vector.broadcast %jit3A_95 : f32 to vector<1x4096xf32>
    %select_n3A_98 = arith.select %eq3A_93, %broadcast_in_dim3A_96, %broadcast_in_dim3A_97 : vector<1x4096xi1>, vector<1x4096xf32>
    %eq3A_99 = arith.cmpf oeq, %select_n3A_77, %max3A_92 : vector<1x4096xf32>
    %jit3A_100 = arith.constant 1.000000e+00 : f32
    %jit3A_101 = arith.constant 0.000000e+00 : f32
    %broadcast_in_dim3A_102 = vector.broadcast %jit3A_100 : f32 to vector<1x4096xf32>
    %broadcast_in_dim3A_103 = vector.broadcast %jit3A_101 : f32 to vector<1x4096xf32>
    %select_n3A_104 = arith.select %eq3A_99, %broadcast_in_dim3A_102, %broadcast_in_dim3A_103 : vector<1x4096xi1>, vector<1x4096xf32>
    %eq3A_105 = arith.cmpf oeq, %select_n3A_83, %max3A_92 : vector<1x4096xf32>
    %jit3A_106 = arith.constant 1.000000e+00 : f32
    %jit3A_107 = arith.constant 0.000000e+00 : f32
    %broadcast_in_dim3A_108 = vector.broadcast %jit3A_106 : f32 to vector<1x4096xf32>
    %broadcast_in_dim3A_109 = vector.broadcast %jit3A_107 : f32 to vector<1x4096xf32>
    %select_n3A_110 = arith.select %eq3A_105, %broadcast_in_dim3A_108, %broadcast_in_dim3A_109 : vector<1x4096xi1>, vector<1x4096xf32>
    %eq3A_111 = arith.cmpf oeq, %select_n3A_89, %max3A_92 : vector<1x4096xf32>
    %jit3A_112 = arith.constant 1.000000e+00 : f32
    %jit3A_113 = arith.constant 0.000000e+00 : f32
    %broadcast_in_dim3A_114 = vector.broadcast %jit3A_112 : f32 to vector<1x4096xf32>
    %broadcast_in_dim3A_115 = vector.broadcast %jit3A_113 : f32 to vector<1x4096xf32>
    %select_n3A_116 = arith.select %eq3A_111, %broadcast_in_dim3A_114, %broadcast_in_dim3A_115 : vector<1x4096xi1>, vector<1x4096xf32>
    %sub3A_117 = arith.constant 1.000000e+00 : f32
    %sub3A_118 = vector.broadcast %sub3A_117 : f32 to vector<1x4096xf32>
    %sub3A_119 = arith.subf %sub3A_118, %select_n3A_98 : vector<1x4096xf32>
    %mul3A_120 = arith.mulf %select_n3A_104, %sub3A_119 : vector<1x4096xf32>
    %sub3A_121 = arith.constant 1.000000e+00 : f32
    %sub3A_122 = vector.broadcast %sub3A_121 : f32 to vector<1x4096xf32>
    %sub3A_123 = arith.subf %sub3A_122, %select_n3A_98 : vector<1x4096xf32>
    %mul3A_124 = arith.mulf %select_n3A_110, %sub3A_123 : vector<1x4096xf32>
    %sub3A_125 = arith.constant 1.000000e+00 : f32
    %sub3A_126 = vector.broadcast %sub3A_125 : f32 to vector<1x4096xf32>
    %sub3A_127 = arith.subf %sub3A_126, %select_n3A_104 : vector<1x4096xf32>
    %mul3A_128 = arith.mulf %mul3A_124, %sub3A_127 : vector<1x4096xf32>
    %sub3A_129 = arith.constant 1.000000e+00 : f32
    %sub3A_130 = vector.broadcast %sub3A_129 : f32 to vector<1x4096xf32>
    %sub3A_131 = arith.subf %sub3A_130, %select_n3A_98 : vector<1x4096xf32>
    %mul3A_132 = arith.mulf %select_n3A_116, %sub3A_131 : vector<1x4096xf32>
    %sub3A_133 = arith.constant 1.000000e+00 : f32
    %sub3A_134 = vector.broadcast %sub3A_133 : f32 to vector<1x4096xf32>
    %sub3A_135 = arith.subf %sub3A_134, %select_n3A_104 : vector<1x4096xf32>
    %mul3A_136 = arith.mulf %mul3A_132, %sub3A_135 : vector<1x4096xf32>
    %sub3A_137 = arith.constant 1.000000e+00 : f32
    %sub3A_138 = vector.broadcast %sub3A_137 : f32 to vector<1x4096xf32>
    %sub3A_139 = arith.subf %sub3A_138, %select_n3A_110 : vector<1x4096xf32>
    %mul3A_140 = arith.mulf %mul3A_136, %sub3A_139 : vector<1x4096xf32>
    %add3A_141 = arith.addf %select_n3A, %select_n3A_98 : vector<1x4096xf32>
    %min3A = arith.constant 1.000000e+00 : f32
    %min3A_142 = vector.broadcast %min3A : f32 to vector<1x4096xf32>
    %min3A_143 = arith.minimumf %add3A_141, %min3A_142 : vector<1x4096xf32>
    %add3A_144 = arith.addf %mul3A, %mul3A_120 : vector<1x4096xf32>
    %min3A_145 = arith.constant 1.000000e+00 : f32
    %min3A_146 = vector.broadcast %min3A_145 : f32 to vector<1x4096xf32>
    %min3A_147 = arith.minimumf %add3A_144, %min3A_146 : vector<1x4096xf32>
    %add3A_148 = arith.addf %mul3A_54, %mul3A_128 : vector<1x4096xf32>
    %min3A_149 = arith.constant 1.000000e+00 : f32
    %min3A_150 = vector.broadcast %min3A_149 : f32 to vector<1x4096xf32>
    %min3A_151 = arith.minimumf %add3A_148, %min3A_150 : vector<1x4096xf32>
    %add3A_152 = arith.addf %mul3A_66, %mul3A_140 : vector<1x4096xf32>
    %min3A_153 = arith.constant 1.000000e+00 : f32
    %min3A_154 = vector.broadcast %min3A_153 : f32 to vector<1x4096xf32>
    %min3A_155 = arith.minimumf %add3A_152, %min3A_154 : vector<1x4096xf32>
    %mul3A_156 = arith.mulf %slice3A, %min3A_143 : vector<1x4096xf32>
    %mul3A_157 = arith.mulf %slice3A_18, %min3A_147 : vector<1x4096xf32>
    %mul3A_158 = arith.mulf %slice3A_19, %min3A_151 : vector<1x4096xf32>
    %mul3A_159 = arith.mulf %slice3A_20, %min3A_155 : vector<1x4096xf32>
    %concatenate3A_160 = tpu.concatenate %mul3A_156, %mul3A_157, %mul3A_158, %mul3A_159 in 0 : vector<1x4096xf32>, vector<1x4096xf32>, vector<1x4096xf32>, vector<1x4096xf32> -> vector<4x4096xf32>
    %concatenate3A_161 = tpu.concatenate %min3A_143, %min3A_147, %min3A_151, %min3A_155 in 0 : vector<1x4096xf32>, vector<1x4096xf32>, vector<1x4096xf32>, vector<1x4096xf32> -> vector<4x4096xf32>
    %swap3A = arith.constant 0 : index
    %swap3A_162 = arith.constant 0 : index
    %swap3A_163 = vector.load %arg7[%swap3A, %swap3A_162] : memref<4x4096xf32, #tpu.memory_space<vmem>>, vector<4x4096xf32>
    tpu.vector_store %arg7[%swap3A, %swap3A_162], %concatenate3A_161 {strides = array<i32>} : memref<4x4096xf32, #tpu.memory_space<vmem>>, vector<4x4096xf32>,
    %iota3A = tpu.iota {dimensions = array<i32: 0>} : vector<8x1xi32>
    %convert_element_type3A = arith.sitofp %iota3A : vector<8x1xi32> to vector<8x1xf32>
    %iota3A_164 = tpu.iota {dimensions = array<i32: 0>} : vector<16x1xi32>
    %convert_element_type3A_165 = arith.sitofp %iota3A_164 : vector<16x1xi32> to vector<16x1xf32>
    %add3A_166 = arith.constant 1.000000e+00 : f32
    %add3A_167 = vector.broadcast %add3A_166 : f32 to vector<8x1xf32>
    %add3A_168 = arith.addf %convert_element_type3A, %add3A_167 : vector<8x1xf32>
    %mul3A_169 = vector.broadcast %add3A_168 : vector<8x1xf32> to vector<8x4096xf32>
    %mul3A_170 = vector.broadcast %get3A_1 : vector<1x4096xf32> to vector<8x4096xf32>
    %mul3A_171 = arith.mulf %mul3A_169, %mul3A_170 : vector<8x4096xf32>
    %sin3A = math.sin %mul3A_171 : vector<8x4096xf32>
    %cos3A = math.cos %mul3A_171 : vector<8x4096xf32>
    %concatenate3A_172 = tpu.concatenate %sin3A, %cos3A in 0 : vector<8x4096xf32>, vector<8x4096xf32> -> vector<16x4096xf32>
    %mul3A_173 = arith.constant 0.0666666701 : f32
    %mul3A_174 = vector.broadcast %mul3A_173 : f32 to vector<16x1xf32>
    %mul3A_175 = arith.mulf %convert_element_type3A_165, %mul3A_174 : vector<16x1xf32>
    %sub3A_176 = vector.broadcast %get3A_1 : vector<1x4096xf32> to vector<16x4096xf32>
    %sub3A_177 = vector.broadcast %mul3A_175 : vector<16x1xf32> to vector<16x4096xf32>
    %sub3A_178 = arith.subf %sub3A_176, %sub3A_177 : vector<16x4096xf32>
    %mul3A_179 = arith.constant 8.000000e+00 : f32
    %mul3A_180 = vector.broadcast %mul3A_179 : f32 to vector<16x4096xf32>
    %mul3A_181 = arith.mulf %sub3A_178, %mul3A_180 : vector<16x4096xf32>
    %abs3A = math.absf %mul3A_181 : vector<16x4096xf32>
    %sub3A_182 = arith.constant 1.000000e+00 : f32
    %sub3A_183 = vector.broadcast %sub3A_182 : f32 to vector<16x4096xf32>
    %sub3A_184 = arith.subf %sub3A_183, %abs3A : vector<16x4096xf32>
    %max3A_185 = arith.constant 0.000000e+00 : f32
    %max3A_186 = vector.broadcast %max3A_185 : f32 to vector<16x4096xf32>
    %max3A_187 = arith.maximumf %sub3A_184, %max3A_186 : vector<16x4096xf32>
    %mul3A_188 = arith.mulf %max3A_187, %max3A_187 : vector<16x4096xf32>
    %mul3A_189 = arith.mulf %mul3A_188, %max3A_187 : vector<16x4096xf32>
    %sub3A_190 = vector.broadcast %get3A_1 : vector<1x4096xf32> to vector<16x4096xf32>
    %sub3A_191 = vector.broadcast %mul3A_175 : vector<16x1xf32> to vector<16x4096xf32>
    %sub3A_192 = arith.subf %sub3A_190, %sub3A_191 : vector<16x4096xf32>
    %mul3A_193 = arith.constant -1.000000e+01 : f32
    %mul3A_194 = vector.broadcast %mul3A_193 : f32 to vector<16x4096xf32>
    %mul3A_195 = arith.mulf %mul3A_194, %sub3A_192 : vector<16x4096xf32>
    %mul3A_196 = arith.mulf %mul3A_195, %sub3A_192 : vector<16x4096xf32>
    %exp3A_197 = math.exp %mul3A_196 : vector<16x4096xf32>
    %mul3A_198 = arith.constant 2.500000e-01 : f32
    %mul3A_199 = vector.broadcast %mul3A_198 : f32 to vector<16x1xf32>
    %mul3A_200 = arith.mulf %convert_element_type3A_165, %mul3A_199 : vector<16x1xf32>
    %floor3A = math.floor %mul3A_200 : vector<16x1xf32>
    %mul3A_201 = arith.constant 4.000000e+00 : f32
    %mul3A_202 = vector.broadcast %mul3A_201 : f32 to vector<16x1xf32>
    %mul3A_203 = arith.mulf %mul3A_202, %floor3A : vector<16x1xf32>
    %sub3A_204 = arith.subf %convert_element_type3A_165, %mul3A_203 : vector<16x1xf32>
    %mul3A_205 = arith.constant 0.333333343 : f32
    %mul3A_206 = vector.broadcast %mul3A_205 : f32 to vector<16x1xf32>
    %mul3A_207 = arith.mulf %sub3A_204, %mul3A_206 : vector<16x1xf32>
    %sub3A_208 = arith.constant 1.000000e+00 : f32
    %sub3A_209 = vector.broadcast %sub3A_208 : f32 to vector<16x1xf32>
    %sub3A_210 = arith.subf %sub3A_209, %floor3A : vector<16x1xf32>
    %exp23A = math.exp2 %sub3A_210 : vector<16x1xf32>
    %sub3A_211 = vector.broadcast %get3A_1 : vector<1x4096xf32> to vector<16x4096xf32>
    %sub3A_212 = vector.broadcast %mul3A_207 : vector<16x1xf32> to vector<16x4096xf32>
    %sub3A_213 = arith.subf %sub3A_211, %sub3A_212 : vector<16x4096xf32>
    %mul3A_214 = vector.broadcast %exp23A : vector<16x1xf32> to vector<16x4096xf32>
    %mul3A_215 = arith.mulf %sub3A_213, %mul3A_214 : vector<16x4096xf32>
    %mul3A_216 = arith.mulf %mul3A_215, %mul3A_215 : vector<16x4096xf32>
    %sub3A_217 = arith.constant 1.000000e+00 : f32
    %sub3A_218 = vector.broadcast %sub3A_217 : f32 to vector<16x4096xf32>
    %sub3A_219 = arith.subf %sub3A_218, %mul3A_216 : vector<16x4096xf32>
    %mul3A_220 = arith.constant -5.000000e-01 : f32
    %mul3A_221 = vector.broadcast %mul3A_220 : f32 to vector<16x4096xf32>
    %mul3A_222 = arith.mulf %mul3A_221, %mul3A_216 : vector<16x4096xf32>
    %exp3A_223 = math.exp %mul3A_222 : vector<16x4096xf32>
    %mul3A_224 = arith.mulf %sub3A_219, %exp3A_223 : vector<16x4096xf32>
    %slice3A_225 = vector.extract_strided_slice %concatenate3A_160 {offsets = [0, 0], sizes = [1, 4096], strides = [1, 1]} : vector<4x4096xf32> to vector<1x4096xf32>
    %mul3A_226 = vector.broadcast %slice3A_225 : vector<1x4096xf32> to vector<16x4096xf32>
    %mul3A_227 = arith.mulf %concatenate3A_172, %mul3A_226 : vector<16x4096xf32>
    %slice3A_228 = vector.extract_strided_slice %concatenate3A_160 {offsets = [1, 0], sizes = [1, 4096], strides = [1, 1]} : vector<4x4096xf32> to vector<1x4096xf32>
    %mul3A_229 = vector.broadcast %slice3A_228 : vector<1x4096xf32> to vector<16x4096xf32>
    %mul3A_230 = arith.mulf %mul3A_189, %mul3A_229 : vector<16x4096xf32>
    %slice3A_231 = vector.extract_strided_slice %concatenate3A_160 {offsets = [2, 0], sizes = [1, 4096], strides = [1, 1]} : vector<4x4096xf32> to vector<1x4096xf32>
    %mul3A_232 = vector.broadcast %slice3A_231 : vector<1x4096xf32> to vector<16x4096xf32>
    %mul3A_233 = arith.mulf %exp3A_197, %mul3A_232 : vector<16x4096xf32>
    %slice3A_234 = vector.extract_strided_slice %concatenate3A_160 {offsets = [3, 0], sizes = [1, 4096], strides = [1, 1]} : vector<4x4096xf32> to vector<1x4096xf32>
    %mul3A_235 = vector.broadcast %slice3A_234 : vector<1x4096xf32> to vector<16x4096xf32>
    %mul3A_236 = arith.mulf %mul3A_224, %mul3A_235 : vector<16x4096xf32>
    %concatenate3A_237 = tpu.concatenate %mul3A_227, %mul3A_230, %mul3A_233, %mul3A_236 in 0 : vector<16x4096xf32>, vector<16x4096xf32>, vector<16x4096xf32>, vector<16x4096xf32> -> vector<64x4096xf32>
    %get3A_238 = arith.constant 0 : index
    %get3A_239 = arith.constant 0 : index
    %get3A_240 = vector.load %arg5[%get3A_238, %get3A_239] : memref<64x256xf32, #tpu.memory_space<vmem>>, vector<64x256xf32>
    %dot_general3A_241 = arith.constant dense<0.000000e+00> : vector<4096x256xf32>
    %dot_general3A_242 = tpu.matmul %concatenate3A_237, %get3A_240, %dot_general3A_241 {dimension_numbers = #tpu.dot_dimension_numbers<[0], [0], [1], [1], [0, 1, 1, 1], [], []>, transpose_lhs_hint = false} : vector<64x4096xf32>, vector<64x256xf32>, vector<4096x256xf32> -> vector<4096x256xf32>
    %swap3A_243 = arith.constant 0 : index
    %swap3A_244 = arith.constant 0 : index
    %swap3A_245 = vector.load %arg6[%swap3A_243, %swap3A_244] : memref<4096x256xf32, #tpu.memory_space<vmem>>, vector<4096x256xf32>
    tpu.vector_store %arg6[%swap3A_243, %swap3A_244], %dot_general3A_242 {strides = array<i32>} : memref<4096x256xf32, #tpu.memory_space<vmem>>, vector<4096x256xf32>,
    return
  }
  func.func @transform_0(%arg0: i32) -> (i32, i32) {
    %c0_i32 = arith.constant 0 : i32
    %c0_i32_0 = arith.constant 0 : i32
    return %c0_i32, %arg0 : i32, i32
  }
  func.func @transform_1(%arg0: i32) -> (i32, i32) {
    %c0_i32 = arith.constant 0 : i32
    %c0_i32_0 = arith.constant 0 : i32
    return %c0_i32, %arg0 : i32, i32
  }
  func.func @transform_2(%arg0: i32) -> (i32, i32) {
    %c0_i32 = arith.constant 0 : i32
    %c0_i32_0 = arith.constant 0 : i32
    %c0_i32_1 = arith.constant 0 : i32
    return %c0_i32, %c0_i32_0 : i32, i32
  }
  func.func @transform_3(%arg0: i32) -> (i32, i32) {
    %c0_i32 = arith.constant 0 : i32
    %c0_i32_0 = arith.constant 0 : i32
    %c0_i32_1 = arith.constant 0 : i32
    return %c0_i32, %c0_i32_0 : i32, i32
  }
  func.func @transform_4(%arg0: i32) -> (i32, i32) {
    %c0_i32 = arith.constant 0 : i32
    %c0_i32_0 = arith.constant 0 : i32
    %c0_i32_1 = arith.constant 0 : i32
    return %c0_i32, %c0_i32_0 : i32, i32
  }
  func.func @transform_5(%arg0: i32) -> (i32, i32) {
    %c0_i32 = arith.constant 0 : i32
    %c0_i32_0 = arith.constant 0 : i32
    return %arg0, %c0_i32 : i32, i32
  }
  func.func @transform_6(%arg0: i32) -> (i32, i32) {
    %c0_i32 = arith.constant 0 : i32
    %c0_i32_0 = arith.constant 0 : i32
    return %c0_i32, %arg0 : i32, i32
  }
}

</mosaic_0001>

<sc_bundles>
// kernel: kernel.4.cloned.1.call-start
scs
__scs_entry_jumppad:
0x0: {  	(pc) =	sbr.rel $0x88, $3  }
0x1: {  	(tag) =	ssettag $0x0;
	lr =	simm.s32 $0x1  }
0x2: {  	[smem:$0x3F99] =	sst lr;
	_ =	strace $0xD0000000  }
0x3: {  	_ = 	snop  }
0x4: {  	_ = 	snop  }
0x5: {  	_ = 	snop  }
0x6: {  	_ = 	snop  }
0x7: {  	_ = 	snop  }
__scs_overlays_trampoline_lowered:
0x8: {  	[smem:$0x3FA8] =	sst s0  }
0x9: {  	[smem:$0x3FA9] =	sst s1  }
0xa: {  	[smem:$0x3FAA] =	sst s2  }
0xb: {  	[smem:$0x3FAB] =	sst s3  }
0xc: {  	[smem:$0x3FAC] =	sst s4  }
0xd: {  	[smem:$0x3FAD] =	sst s5  }
0xe: {  	[smem:$0x3FAE] =	sst s6  }
0xf: {  	[smem:$0x3FAF] =	sst s7  }
0x10: {  	[smem:$0x3FB0] =	sst s8  }
0x11: {  	[smem:$0x3FB1] =	sst s9;
	s0 =	simm.s32 @!p0 $0x0  }
0x12: {  	s1 =	sld [smem:$0x3F97];
	s0 =	simm.s32 @p0 $0x1  }
0x13: {  	[smem:$0x3FB2] =	sst s0;
	s0 =	simm.s32 @!p1 $0x0  }
0x14: {  	s2 =	sld [smem:$0x3F96];
	s0 =	simm.s32 @p1 $0x1  }
0x15: {  	[smem:$0x3FB3] =	sst s0;
	s0 =	simm.s32 @!p2 $0x0  }
0x16: {  	s3 =	sld [smem:$0x3FDB];
	s0 =	simm.s32 @p2 $0x1  }
0x17: {  	s4 =	simm.s32 $0x1BF5;
	[smem:$0x3FB5] =	sst s0  }
0x18: {  	s0 =	sld [smem:$0x3F98];
	_ =	swait.ge [sflag:s4], $0x0  }
0x19: {  	s7 =	sld [smem:$0x3F99]  }
0x1a: {  	s8 =	sadd.s32 $0xFFFFE003, lr  }
0x1b: {  	s9 =	sadd.s32 $0xFFFFFEF7, lr;
	s5 =	simm.s32 $0xFFFFFFFF;
	p2 =	slt.u32 s8, $0xFFFFF086  }
0x1c: {  	p1 =	slt.u32 s9, $0xF7A;
	s5 =	simm.s32 @!p2 $0x0  }
0x1d: {  	s5 =	simm.s32 @p1 $0x1;
	p0 =	seq.s32 s7, s2  }
0x1e: {  	s7 =	smul.u32 @!p0 $0xF7A, s2;
	p2 =	seq.s32 @!p0 s5, $0x0  }
0x1f: {  	s9 =	smul.u32 $0xF7A, s1;
	s8 =	simm.s32 @!p0 $0x1BF5;
	p2 =	por !p2, p0  }
0x20: {  	[sflag:s8] =	ssyncset.s32 @!p0 $0xFFFFF086;
	s6 =	sadd.s32 @!p0 s3, s7;
	s7 =	simm.s32 @!p0 $0x108  }
0x21: {  	s3 =	sadd.s32 s3, s9;
	s6 =	sadd.s32 @!p0 $0x88, s6;
	s7 =	simm.s32 @p2 $0x1082  }
0x22: {  	[simem:s7], [sflag:s8] =	dma.local @!p0 [hbm:s6], $0xF7A  }
0x23: {  	s9 =	sor.u32 $0xD0000000, s2;
	s6 =	simm.s32 $0x108;
	_ =	swait.ge @!p0 [sflag:s8], $0x0  }
0x24: {  	s3 =	sadd.s32 $0x88, s3;
	s6 =	simm.s32 @!p1 $0x1082;
	[sflag:s4] =	ssyncset.s32 $0xFFFFF086  }
0x25: {  	[simem:s6], [sflag:s4] =	dma.local [hbm:s3], $0xF7A  }
0x26: {  	[smem:$0x3F99] =	sst s1;
	(tag) =	ssettag s2;
	_ =	strace s9  }
0x27: {  	s1 =	sld [smem:$0x3FA9]  }
0x28: {  	s2 =	sld [smem:$0x3FAA]  }
0x29: {  	s4 =	sld [smem:$0x3FAC]  }
0x2a: {  	p0 =	seq.s32 s5, $0x0;
	s5 =	sld [smem:$0x3FAD]  }
0x2b: {  	s6 =	sld [smem:$0x3FAE]  }
0x2c: {  	s7 =	sld [smem:$0x3FAF]  }
0x2d: {  	s3 =	simm.s32 $0x108;
	s8 =	sld [smem:$0x3FB0]  }
0x2e: {  	s3 =	simm.s32 @!p0 $0x1082;
	s9 =	sld [smem:$0x3FB1]  }
0x2f: {  	lr =	sadd.s32 s0, s3;
	s0 =	sld [smem:$0x3FA8]  }
0x30: {  	s3 =	sld [smem:$0x3FAB]  }
0x31: {  	[smem:$0x3FB4] =	sst s10  }
0x32: {  	s10 =	sld [smem:$0x3FB2];
	_ =	sdelay $0x3  }
0x33: {  	p0 =	seq.s32 s10, $0x1;
	s10 =	sld [smem:$0x3FB4];
	_ =	sdelay $0x3  }
0x34: {  	[smem:$0x3FB4] =	sst s10  }
0x35: {  	s10 =	sld [smem:$0x3FB3];
	_ =	sdelay $0x3  }
0x36: {  	p1 =	seq.s32 s10, $0x1;
	s10 =	sld [smem:$0x3FB4];
	_ =	sdelay $0x3  }
0x37: {  	[smem:$0x3FB4] =	sst s10  }
0x38: {  	s10 =	sld [smem:$0x3FB5]  }
0x39: {  	_ = 	snop;
	(pc) =	sbr.ind lr, $3  }
0x3a: {  	_ = 	snop  }
0x3b: {  	_ = 	snop  }
0x3c: {  	p2 =	seq.s32 s10, $0x1;
	s10 =	sld [smem:$0x3FB4]  }
0x3d: {  	_ =	shalt  }
0x3e: {  	_ =	shalt  }
0x3f: {  	_ =	shalt  }
0x40: {  	_ =	shalt  }
0x41: {  	_ =	shalt  }
0x42: {  	_ =	shalt  }
0x43: {  	_ =	shalt  }
0x44: {  	_ =	shalt  }
0x45: {  	_ =	shalt  }
0x46: {  	_ =	shalt  }
0x47: {  	_ =	shalt  }
0x48: {  	_ =	shalt  }
0x49: {  	_ =	shalt  }
0x4a: {  	_ =	shalt  }
0x4b: {  	_ =	shalt  }
0x4c: {  	_ =	shalt  }
0x4d: {  	_ =	shalt  }
0x4e: {  	_ =	shalt  }
0x4f: {  	_ =	shalt  }
0x50: {  	_ =	shalt  }
0x51: {  	_ =	shalt  }
0x52: {  	_ =	shalt  }
0x53: {  	_ =	shalt  }
0x54: {  	_ =	shalt  }
0x55: {  	_ =	shalt  }
0x56: {  	_ =	shalt  }
0x57: {  	_ =	shalt  }
0x58: {  	_ =	shalt  }
0x59: {  	_ =	shalt  }
0x5a: {  	_ =	shalt  }
0x5b: {  	_ =	shalt  }
0x5c: {  	_ =	shalt  }
0x5d: {  	_ =	shalt  }
0x5e: {  	_ =	shalt  }
0x5f: {  	_ =	shalt  }
0x60: {  	_ =	shalt  }
0x61: {  	_ =	shalt  }
0x62: {  	_ =	shalt  }
0x63: {  	_ =	shalt  }
0x64: {  	_ =	shalt  }
0x65: {  	_ =	shalt  }
0x66: {  	_ =	shalt  }
0x67: {  	_ =	shalt  }
0x68: {  	_ =	shalt  }
0x69: {  	_ =	shalt  }
0x6a: {  	_ =	shalt  }
0x6b: {  	_ =	shalt  }
0x6c: {  	_ =	shalt  }
0x6d: {  	_ =	shalt  }
0x6e: {  	_ =	shalt  }
0x6f: {  	_ =	shalt  }
0x70: {  	_ =	shalt  }
0x71: {  	_ =	shalt  }
0x72: {  	_ =	shalt  }
0x73: {  	_ =	shalt  }
0x74: {  	_ =	shalt  }
0x75: {  	_ =	shalt  }
0x76: {  	_ =	shalt  }
0x77: {  	_ =	shalt  }
0x78: {  	_ =	shalt  }
0x79: {  	_ =	shalt  }
0x7a: {  	_ =	shalt  }
0x7b: {  	_ =	shalt  }
0x7c: {  	_ =	shalt  }
0x7d: {  	_ =	shalt  }
0x7e: {  	_ =	shalt  }
0x7f: {  	_ =	shalt  }
0x80: {  	_ =	shalt  }
0x81: {  	_ =	shalt  }
0x82: {  	_ =	shalt  }
0x83: {  	_ =	shalt  }
0x84: {  	_ =	shalt  }
0x85: {  	_ =	shalt  }
0x86: {  	_ =	shalt  }
0x87: {  	_ =	shalt  }
.Lfunc_end0:
.L_simem_size_0:
called_computation_lowered:
.L_overlay_start_0:
0x88: {  	s2 =	sld [smem:$0x3FD9]  }
0x89: {  	s3 =	sld [smem:$0x3FFE];
	_ =	sdelay $0x1  }
0x8a: {  	s1 =	srdreg.scid  }
0x8b: {  	s0 =	sand.u32 $0x1, s1  }
0x8c: {  	s14 =	sshll.u32 s0, $0xA;
	s2 =	sadd.s32 s3, s2  }
0x8d: {  	s2 =	sadd.s32 s2, s14  }
0x8e: {  	[smem:$0x3FC0] =	sst s2  }
0x8f: {  	_ = 	snop  }
0x90: {  	s2 =	sld [smem:$0x3FD0];
	_ =	sdelay $0x2  }
0x91: {  	s15 =	simm.s32 $0xA;
	s4 =	simm.s32 $0x10  }
0x92: {  	[smem:s4], [sflag:s15] =	dma.local [hbm:s2], $0x1  }
0x93: {  	_ =	swait.eq [sflag:s15], $0x1  }
0x94: {  	[sflag:s15] =	ssyncset.done $0x0  }
0x95: {  	[sflag:s15] =	ssyncadd.s32 $0xFFFFFFFF  }
0x96: {  	s16 =	sld [smem:$0x11];
	(tm) =	ssettm $0x1  }
0x97: {  	s17 =	sld [smem:$0x3FFB];
	_ =	sdelay $0x3  }
0x98: {  	_ =	strace s17  }
0x99: {  	s3 =	sld [smem:$0x3FFC];
	_ =	sdelay $0x3  }
0x9a: {  	_ =	strace s3  }
0x9b: {  	s3 =	sld [smem:$0x3FFD];
	_ =	sdelay $0x3  }
0x9c: {  	_ =	strace s3  }
0x9d: {  	_ =	strace $0x8FFFFFFF  }
0x9e: {  	s18 =	sld [smem:$0x3FDB];
	_ =	sdelay $0x1  }
0x9f: {  	s19 =	simm.s32 $_scs_section_size  }
0xa0: {  	s5 =	simm.s32 $_size__tile_overlayer_lowered;
	s6 =	simm.s32 $_tile_overlayer_lowered  }
0xa1: {  	s22 =	simm.s32 $0x1BFF;
	s21 =	sshll.u32 s6, $0x1;
	s3 =	sadd.s32 s19, s18  }
0xa2: {  	s7 =	simm.s32 $0x0;
	s20 =	sshll.u32 s5, $0x1;
	s5 =	sadd.s32 s21, s3  }
0xa3: {  	[timem:s7], [sflag:s22] =	dma.local [hbm:s5], s20  }
0xa4: {  	_ =	swait.ge [sflag:s22], s20  }
0xa5: {  	s4 =	ssub.s32 $0x0, s20;
	[sflag:s22] =	ssyncset.done $0x0  }
0xa6: {  	[sflag:s22] =	ssyncadd.s32 s4;
	_ =	sdelay $0x1  }
0xa7: {  	s23 =	simm.s32 $0x1B8B  }
0xa8: {  	_ =	swait.ge [sflag:s23], $0x1  }
0xa9: {  	[sflag:s23] =	ssyncset.done $0x0  }
0xaa: {  	s25 =	simm.s32 $0x1B8E;
	s24 =	sld [smem:$0x3FFE];
	[sflag:s23] =	ssyncadd.s32 $0xFFFFFFFF  }
0xab: {  	s26 =	simm.s32 $execute0_lowered;
	[smem:$0x3FD2] =	sst s25  }
0xac: {  	s5 =	sshll.u32 s26, $0x1;
	_ =	strace $0x80000046;
	[dreg:$0x1] =	wrdreg $0xFFFFFFFF  }
0xad: {  	s28 =	simm.s32 $_size_execute0_lowered;
	s3 =	sadd.s32 s3, s5;
	[dreg:$0x0] =	wrdreg $0x0  }
0xae: {  	s5 =	sshll.u32 s28, $0x1;
	[dreg:$0x2] =	wrdreg s3  }
0xaf: {  	[dreg:$0x3] =	wrdreg s5  }
0xb0: {  	[dreg:$0x4] =	wrdreg $0xC0  }
0xb1: {  	_ =	task [dreg:s7], $0x5FFFF  }
0xb2: {  	[dreg:$0x1] =	wrdreg $0xFFFFFFFF  }
0xb3: {  	[dreg:$0x0] =	wrdreg $0x60  }
0xb4: {  	[dreg:$0x2] =	wrdreg s24  }
0xb5: {  	[dreg:$0x3] =	wrdreg s16  }
0xb6: {  	[dreg:$0x4] =	wrdreg $0x9  }
0xb7: {  	_ =	task.clear_ibuf [dreg:s7], $0x5FFFF;
	_ =	strace $0x90000046  }
0xb8: {  	s29 =	simm.s32 $0x9;
	_ =	strace $0x80000048  }
0xb9: {  	_ =	swait.ge [sflag:s29], $0x1  }
0xba: {  	[sflag:s29] =	ssyncadd.s32 $0xFFFFFFFF  }
0xbb: {  	_ =	strace $0x90000048  }
0xbc: {  	_ =	sfence  }
0xbd: {  	s30 =	sld [smem:$0x0];
	_ =	sdelay $0x2  }
0xbe: {  	s31 =	sshll.u32 s1, $0xD;
	s1 =	sshrl.u32 s1, $0x2  }
0xbf: {  	s3 =	sand.u32 $0x4000, s31;
	s1 =	sadd.s32 s1, s30  }
0xc0: {  	s0 =	sor.u32 s3, s0;
	s1 =	sshll.u32 s1, $0x11  }
0xc1: {  	s0 =	sor.u32 s1, s0  }
0xc2: {  	s0 =	sadd.s32 $0x8F2B, s0  }
0xc3: {  	[sflag:s0] =	ssyncadd.remote.s32 $0x1  }
0xc4: {  	_ =	sfence.sel $0xFFFF  }
0xc5: {  	[dreg:$0x0] =	wrdreg $0xFFFFFFFF;
	(pc) =	sbr.abs _section_cstart, $3  }
0xc6: {  	[dreg:$0x1] =	wrdreg $0xFFFFFFFF  }
0xc7: {  	_ =	task.clear_ibuf [dreg:s7], $0x2FFFF;
	_ =	strace $0x9FFFFFFF  }
0xc8: {  	(tm) =	ssettm $0x7FFFFFFF  }
0xc9: {  	_ =	shalt  }
tec
execute0_lowered:
.L_overlay_start_1:
0x0: {  	(tag) =	ssettag $0x1  }
0x1: {  	s10 =	rddreg [dreg:$0x0]  }
0x2: {  	s1 =	srdreg.scid;
	s0 =	stileid.u32  }
0x3: {  	s6 =	rddreg [dreg:$0x1];
	s2 =	simm.s32 $0x0;
	s12 =	simm.s32 $0x6000  }
0x4: {  	s13 =	simm.s32 $0x6C00;
	s14 =	simm.s32 $0x7800;
	s15 =	simm.s32 $0x8400  }
0x5: {  	s16 =	simm.s32 $0x9000;
	s17 =	simm.s32 $0x9200;
	s18 =	simm.s32 $0x0  }
0x6: {  	s4 =	sand.u32 $0x1, s1;
	s3 =	sshll.u32 s0, $0x1;
	s1 =	rddreg [dreg:$0x2]  }
0x7: {  	[smem:$0x7FF] =	sst s2;
	s5 =	sor.u32 s4, s3;
	s8 =	ssub.s32 $0x2, s4  }
0x8: {  	_ =	strace $0x80000047;
	s3 =	smul.u32 $0xC00, s5;
	s9 =	sshrl.u32 s8, $0x1  }
0x9: {  	s4 =	sadd.s32 $0x19600, s10;
	s11 =	sshll.u32 s5, $0x9;
	s8 =	ssub.s32 s8, s9  }
0xa: {  	s6 =	sadd.s32 s6, s11;
	s9 =	sadd.s32 $0x19B00, s10;
	s7 =	sadd.s32 s3, s10  }
0xb: {  	s11 =	simm.s32 $0x1;
	s3 =	sadd.s32 $0x19800, s10;
	s5 =	sadd.s32 $0x1600, s7  }
0xc: {  	s7 =	smax.u32 s8, $0x1;
	s8 =	sadd.s32 $0x19980, s10;
	s10 =	sadd.s32 $0x19C80, s10  }
.LBB2_1:
0xd: {  	[tilespmem:s2], [sflag:$0x1] =	stream.linear.gather [hbm4b:s5+s2], $0x6000, $0x38;
	[tilespmem:$0xA200] =	vst v63  }
0xe: {  	_ =	swait.ge [sflag:s11], $0x6000  }
0xf: {  	[sflag:s11] =	ssyncset.done $0x0  }
0x10: {  	[sflag:s11] =	ssyncadd.s32 $0xFFFFA000  }
0x11: {  	[tilespmem:s12], [sflag:$0x1] =	stream.linear.gather [hbm4b:s3+s2], $0x880, $0x38;
	[tilespmem:$0xA200] =	vst v63  }
0x12: {  	_ = 	snop  }
0x13: {  	[tilespmem:s13], [sflag:$0x1] =	stream.linear.gather [hbm4b:s8+s2], $0x880, $0x38;
	[tilespmem:$0xA200] =	vst v63  }
0x14: {  	_ = 	snop  }
0x15: {  	[tilespmem:s14], [sflag:$0x1] =	stream.linear.gather [hbm4b:s9+s2], $0x880, $0x38;
	[tilespmem:$0xA200] =	vst v63  }
0x16: {  	_ = 	snop  }
0x17: {  	[tilespmem:s15], [sflag:$0x1] =	stream.linear.gather [hbm4b:s10+s2], $0x880, $0x38;
	[tilespmem:$0xA200] =	vst v63  }
0x18: {  	_ =	swait.ge [sflag:s11], $0x2200  }
0x19: {  	[sflag:s11] =	ssyncset.done $0x0  }
0x1a: {  	[sflag:s11] =	ssyncadd.s32 $0xFFFFDE00  }
0x1b: {  	[tilespmem:s16], [sflag:$0x1] =	stream.linear.gather [hbm4b:s4+s2], $0x200, $0x38;
	[tilespmem:$0xA200] =	vst v63  }
0x1c: {  	_ =	swait.ge [sflag:s11], $0x200  }
0x1d: {  	[sflag:s11] =	ssyncset.done $0x0  }
0x1e: {  	[sflag:s11] =	ssyncadd.s32 $0xFFFFFE00  }
0x1f: {  	v1 =	vld [tilespmem:$0x8C00]  }
0x20: {  	v3 =	vld [tilespmem:$0x7F80]  }
0x21: {  	v4 =	vld [tilespmem:$0x7F00]  }
0x22: {  	v5 =	vld [tilespmem:$0x8B00]  }
0x23: {  	v6 =	vld [tilespmem:$0x8A80]  }
0x24: {  	v7 =	vld [tilespmem:$0x7E80]  }
0x25: {  	v10 =	vld [tilespmem:$0x8980]  }
0x26: {  	v11 =	vld [tilespmem:$0x7D80]  }
0x27: {  	v12 =	vld [tilespmem:$0x7D00]  }
0x28: {  	v13 =	vld [tilespmem:$0x8900]  }
0x29: {  	v14 =	vld [tilespmem:$0x8880]  }
0x2a: {  	v15 =	vld [tilespmem:$0x7C80]  }
0x2b: {  	v16 =	vld [tilespmem:$0x7C00]  }
0x2c: {  	v17 =	vld [tilespmem:$0x8800]  }
0x2d: {  	v18 =	vld [tilespmem:$0x8780]  }
0x2e: {  	v19 =	vld [tilespmem:$0x7B80]  }
0x2f: {  	v20 =	vld [tilespmem:$0x7B00]  }
0x30: {  	v21 =	vld [tilespmem:$0x8700]  }
0x31: {  	v22 =	vld [tilespmem:$0x8680]  }
0x32: {  	v23 =	vld [tilespmem:$0x7A80]  }
0x33: {  	v24 =	vld [tilespmem:$0x7A00]  }
0x34: {  	v25 =	vld [tilespmem:$0x8600]  }
0x35: {  	v26 =	vld [tilespmem:$0x8580]  }
0x36: {  	v27 =	vld [tilespmem:$0x6180]  }
0x37: {  	v28 =	vld [tilespmem:$0x7900]  }
0x38: {  	v29 =	vld [tilespmem:$0x8480]  }
0x39: {  	v30 =	vld [tilespmem:$0x9080]  }
0x3a: {  	v31 =	vld [tilespmem:$0x7880]  }
0x3b: {  	v32 =	vld [tilespmem:$0x9100]  }
0x3c: {  	v33 =	vld [tilespmem:$0x9180]  }
0x3d: {  	v34 =	vld [tilespmem:$0x6C00]  }
0x3e: {  	v35 =	vld [tilespmem:$0x9000]  }
0x3f: {  	v36 =	vld [tilespmem:$0x7800]  }
0x40: {  	s20 =	simm.s32 $0x0;
	v37 =	vld [tilespmem:$0x6100]  }
0x41: {  	s19 =	sand.u32 $0x70, s2;
	s20 =	sand.u32 $0x3FFFFC00, s20;
	v38 =	vld [tilespmem:$0x8400]  }
0x42: {  	s20 =	sor.u32 s19, s20;
	v39 =	vld [tilespmem:$0x6000]  }
0x43: {  	v40 =	vld [tilespmem:s20+$0x0]  }
0x44: {  	v41 =	vld [tilespmem:s20+$0x100]  }
0x45: {  	v42 =	vld [tilespmem:s20+$0x80]  }
0x46: {  	v43 =	vld [tilespmem:$0x6C80]  }
0x47: {  	v44 =	vld [tilespmem:$0x6080]  }
0x48: {  	v45 =	vld [tilespmem:$0x6D00]  }
0x49: {  	v46 =	vld [tilespmem:$0x8500]  }
0x4a: {  	v47 =	vld [tilespmem:s20+$0x180]  }
0x4b: {  	v48 =	vld [tilespmem:$0x7980]  }
0x4c: {  	v49 =	vld [tilespmem:$0x6D80]  }
0x4d: {  	v50 =	vld [tilespmem:s20+$0x200];
	v39 =	vmul.f32 v39, v40  }
0x4e: {  	v62 =	vld [tilespmem:$0x6200];
	v38 =	vmul.f32 v38, v40;
	v36 =	vmul.f32 v36, v40  }
0x4f: {  	v51 =	vld [tilespmem:$0x6280];
	v34 =	vmul.f32 v34, v40;
	v61 =	vmul.f32 v43, v42  }
0x50: {  	v52 =	vld [tilespmem:$0x6E80];
	v31 =	vmul.f32 v31, v42;
	v63 =	vmul.f32 v44, v42  }
0x51: {  	v54 =	vld [tilespmem:s20+$0x300];
	v29 =	vmul.f32 v29, v42;
	v37 =	vmul.f32 v37, v41  }
0x52: {  	v57 =	vld [tilespmem:$0x6F00];
	v45 =	vmul.f32 v45, v41;
	v28 =	vmul.f32 v28, v41  }
0x53: {  	v59 =	vld [tilespmem:$0x6300];
	v53 =	vmul.f32 v46, v41;
	v27 =	vmul.f32 v27, v47  }
0x54: {  	v60 =	vld [tilespmem:s20+$0x380];
	v56 =	vmul.f32 v48, v47;
	v58 =	vmul.f32 v49, v47  }
0x55: {  	v40 =	vld [tilespmem:s20+$0x280];
	v26 =	vmul.f32 v26, v47;
	v62 =	vmul.f32 v62, v50  }
0x56: {  	v25 =	vmul.f32 v25, v50;
	v24 =	vmul.f32 v24, v50;
	v42 =	vld [tilespmem:$0x6F80]  }
0x57: {  	v43 =	vld [tilespmem:s20+$0x2000];
	v21 =	vmul.f32 v21, v54;
	v47 =	vmul.f32 v57, v54  }
0x58: {  	v48 =	vld [tilespmem:s20+$0x2080];
	v49 =	vmul.f32 v59, v54;
	v20 =	vmul.f32 v20, v54;
	v32 =	vadd.f32 v36, v32  }
0x59: {  	v19 =	vmul.f32 v19, v60;
	v54 =	vld [tilespmem:s20+$0x2100];
	v18 =	vmul.f32 v18, v60;
	v35 =	vadd.f32 v39, v35  }
0x5a: {  	v59 =	vld [tilespmem:s20+$0x2180];
	v31 =	vadd.f32 v31, v32;
	v32 =	vmul.f32 v51, v40;
	v23 =	vmul.f32 v23, v40  }
0x5b: {  	v41 =	vld [tilespmem:s20+$0x2300];
	v33 =	vadd.f32 v38, v33;
	v44 =	vmul.f32 v52, v40;
	v22 =	vmul.f32 v22, v40  }
0x5c: {  	v38 =	vld [tilespmem:$0x6E00];
	v30 =	vadd.f32 v34, v30;
	v17 =	vmul.f32 v17, v43;
	v16 =	vmul.f32 v16, v43  }
0x5d: {  	v36 =	vld [tilespmem:s20+$0x2280];
	v34 =	vadd.f32 v63, v35;
	v15 =	vmul.f32 v15, v48;
	v14 =	vmul.f32 v14, v48  }
0x5e: {  	v46 =	vld [tilespmem:$0x6400];
	v29 =	vadd.f32 v29, v33;
	v13 =	vmul.f32 v13, v54;
	v12 =	vmul.f32 v12, v54  }
0x5f: {  	v30 =	vadd.f32 v61, v30;
	v63 =	vld [tilespmem:$0x6380];
	v11 =	vmul.f32 v11, v59;
	v10 =	vmul.f32 v10, v59  }
0x60: {  	v33 =	vld [tilespmem:$0x7200];
	v5 =	vmul.f32 v5, v41;
	v28 =	vadd.f32 v28, v31;
	v55 =	vadd.f32 v37, v34  }
0x61: {  	v4 =	vmul.f32 v4, v41;
	v29 =	vadd.f32 v53, v29;
	v30 =	vadd.f32 v45, v30;
	v45 =	vld [tilespmem:$0x7000]  }
0x62: {  	v31 =	vld [tilespmem:s20+$0x2200];
	v61 =	vmul.f32 v38, v50;
	v7 =	vmul.f32 v7, v36;
	v27 =	vadd.f32 v27, v55  }
0x63: {  	v9 =	vld [tilespmem:$0x8A00];
	v6 =	vmul.f32 v6, v36;
	v30 =	vadd.f32 v58, v30;
	v26 =	vadd.f32 v26, v29  }
0x64: {  	v35 =	vld [tilespmem:$0x6600];
	v28 =	vadd.f32 v56, v28;
	v55 =	vmul.f32 v42, v60;
	v58 =	vmul.f32 v46, v43  }
0x65: {  	v8 =	vld [tilespmem:$0x7E00];
	v53 =	vmul.f32 v63, v60;
	v30 =	vadd.f32 v61, v30;
	v25 =	vadd.f32 v25, v26  }
0x66: {  	v50 =	vld [tilespmem:$0x6480];
	v27 =	vadd.f32 v62, v27;
	v24 =	vadd.f32 v24, v28;
	v60 =	vmul.f32 v45, v43  }
0x67: {  	v52 =	vld [tilespmem:$0x7080];
	v43 =	vmul.f32 v33, v31;
	v26 =	vadd.f32 v44, v30;
	v22 =	vadd.f32 v22, v25  }
0x68: {  	v37 =	vld [tilespmem:$0x6680];
	v9 =	vmul.f32 v9, v31;
	v27 =	vadd.f32 v32, v27;
	v23 =	vadd.f32 v23, v24  }
0x69: {  	v56 =	vld [tilespmem:$0x7100];
	v45 =	vmul.f32 v35, v31;
	v51 =	vadd.f32 v47, v26;
	v21 =	vadd.f32 v21, v22  }
0x6a: {  	v63 =	vld [tilespmem:$0x7180];
	v8 =	vmul.f32 v8, v31;
	v24 =	vadd.f32 v49, v27;
	v20 =	vadd.f32 v20, v23  }
0x6b: {  	v57 =	vld [tilespmem:$0x6500];
	v62 =	vmul.f32 v50, v48;
	v22 =	vadd.f32 v55, v51;
	v18 =	vadd.f32 v18, v21  }
0x6c: {  	v61 =	vld [tilespmem:$0x6580];
	v30 =	vmul.f32 v52, v48;
	v24 =	vadd.f32 v53, v24;
	v19 =	vadd.f32 v19, v20  }
0x6d: {  	v46 =	vld [tilespmem:$0x6700];
	v48 =	vmul.f32 v37, v36;
	v22 =	vadd.f32 v60, v22;
	v17 =	vadd.f32 v17, v18  }
0x6e: {  	v44 =	vld [tilespmem:$0x7300];
	v34 =	vmul.f32 v56, v54;
	v24 =	vadd.f32 v58, v24;
	v16 =	vadd.f32 v16, v19  }
0x6f: {  	v52 =	vld [tilespmem:s20+$0x4000];
	v38 =	vmul.f32 v63, v59;
	v18 =	vadd.f32 v30, v22;
	v14 =	vadd.f32 v14, v17  }
0x70: {  	v39 =	vld [tilespmem:$0x7280];
	v20 =	vmul.f32 v57, v54;
	v24 =	vadd.f32 v62, v24;
	v15 =	vadd.f32 v15, v16  }
0x71: {  	v0 =	vld [tilespmem:$0x8000];
	v21 =	vmul.f32 v61, v59;
	v18 =	vadd.f32 v34, v18;
	v13 =	vadd.f32 v13, v14  }
0x72: {  	v47 =	vld [tilespmem:s20+$0x2380];
	v54 =	vmul.f32 v46, v41;
	v20 =	vadd.f32 v20, v24;
	v12 =	vadd.f32 v12, v15  }
0x73: {  	v50 =	vld [tilespmem:$0x7380];
	v53 =	vmul.f32 v44, v41;
	v42 =	vadd.f32 v38, v18;
	v10 =	vadd.f32 v10, v13  }
0x74: {  	v2 =	vld [tilespmem:$0x8B80];
	v1 =	vmul.f32 v1, v52;
	v40 =	vadd.f32 v21, v20;
	v11 =	vadd.f32 v11, v12  }
0x75: {  	v49 =	vld [tilespmem:$0x6780];
	v19 =	vmul.f32 v39, v36;
	v12 =	vadd.f32 v43, v42;
	v9 =	vadd.f32 v9, v10  }
0x76: {  	v55 =	vld [tilespmem:$0x7400];
	v0 =	vmul.f32 v0, v52;
	v13 =	vadd.f32 v45, v40;
	v8 =	vadd.f32 v8, v11  }
0x77: {  	v56 =	vld [tilespmem:$0x6800];
	v3 =	vmul.f32 v3, v47;
	v12 =	vadd.f32 v19, v12;
	v6 =	vadd.f32 v6, v9  }
0x78: {  	v58 =	vmul.f32 v50, v47;
	v51 =	vadd.f32 v48, v13;
	v7 =	vadd.f32 v7, v8  }
0x79: {  	v2 =	vmul.f32 v2, v47;
	v12 =	vadd.f32 v53, v12;
	v5 =	vadd.f32 v5, v6  }
0x7a: {  	v57 =	vmul.f32 v49, v47;
	v8 =	vadd.f32 v54, v51;
	v4 =	vadd.f32 v4, v7  }
0x7b: {  	v60 =	vmul.f32 v55, v52;
	v6 =	vadd.f32 v58, v12;
	v2 =	vadd.f32 v2, v5  }
0x7c: {  	v61 =	vmul.f32 v56, v52;
	v59 =	vadd.f32 v57, v8;
	v3 =	vadd.f32 v3, v4  }
0x7d: {  	v62 =	vadd.f32 v60, v6;
	v1 =	vadd.f32 v1, v2  }
0x7e: {  	v2 =	vadd.f32 v61, v59;
	v0 =	vadd.f32 v0, v3;
	_ =	sdelay $0x1  }
0x7f: {  	v3 =	vmax.f32 v2, v62;
	v63 =	vmax.f32 v0, v1  }
0x80: {  	v3 =	vmax.f32 v3, v63  }
0x81: {  	v2 =	vsub.f32 v2, v3;
	_ =	sdelay $0x1  }
0x82: {  	v2 =	vmul.f32 $1.442695020e+00, v2;
	_ =	sdelay $0x1  }
0x83: {  	v4 =	vsub.f32 v62, v3;
	(erf) = vpow2.f32 v2;
	_ =	sdelay $0x1  }
0x84: {  	v4 =	vmul.f32 $1.442695020e+00, v4  }
0x85: {  	v0 =	vsub.f32 v0, v3  }
0x86: {  	(erf) = vpow2.f32 v4  }
0x87: {  	v1 =	vsub.f32 v1, v3;
	v2 =	vmul.f32 $1.442695020e+00, v0;
	_ =	sdelay $0x1  }
0x88: {  	v3 =	vmul.f32 $1.442695020e+00, v1;
	(erf) = vpow2.f32 v2;
	_ =	sdelay $0x1  }
0x89: {  	v0 =	vpop (erf);
	(erf) = vpow2.f32 v3;
	_ =	sdelay $0x3  }
0x8a: {  	v1 =	vpop (erf)  }
0x8b: {  	s21 =	simm.s32 $0x1;
	s22 =	simm.s32 $0x0;
	s20 =	simm.s32 $0x0;
	v2 =	vadd.f32 v1, v0  }
.LBB2_2:
0x8c: {  	p0 =	sne.s32 s21, $0x3F  }
0x8d: {  	s22 =	sadd.s32 $0x10, s22;
	v3 =	vpop (erf);
	s23 =	smov.u32 s21;
	s21 =	sadd.s32 $0x1, s21  }
0x8e: {  	v2 =	vadd.f32 v2, v3  }
0x8f: {  	v4 =	vpop (erf)  }
0x90: {  	v2 =	vadd.f32 v2, v4;
	_ =	sdelay $0x1  }
0x91: {  	(erf) = vrcp.f32 v2;
	_ =	sdelay $0x8  }
0x92: {  	s24 =	sshll.u32 s20, $0x6;
	s20 =	smov.u32 s23;
	v2 =	vpop (erf)  }
0x93: {  	s23 =	sand.u32 $0x3FFFFE00, s24;
	v0 =	vmul.f32 v2, v0;
	v1 =	vmul.f32 v2, v1  }
0x94: {  	s19 =	sor.u32 s19, s23;
	v3 =	vmul.f32 v2, v3;
	v2 =	vmul.f32 v2, v4  }
0x95: {  	[tilespmem:s19+$0x9200] =	vst v0  }
0x96: {  	[tilespmem:s19+$0x9280] =	vst v1  }
0x97: {  	[tilespmem:s19+$0x9300] =	vst v3  }
0x98: {  	[tilespmem:s19+$0x9380] =	vst v2  }
0x99: {  	v1 =	vld [tilespmem:$0x8C00]  }
0x9a: {  	v2 =	vld [tilespmem:$0x8B80]  }
0x9b: {  	v3 =	vld [tilespmem:$0x7F80]  }
0x9c: {  	v0 =	vld [tilespmem:$0x8000]  }
0x9d: {  	v4 =	vld [tilespmem:$0x7F00]  }
0x9e: {  	v5 =	vld [tilespmem:$0x8B00]  }
0x9f: {  	v6 =	vld [tilespmem:$0x8A80]  }
0xa0: {  	v7 =	vld [tilespmem:$0x7E80]  }
0xa1: {  	v8 =	vld [tilespmem:$0x7E00]  }
0xa2: {  	v9 =	vld [tilespmem:$0x8A00]  }
0xa3: {  	v10 =	vld [tilespmem:$0x8980]  }
0xa4: {  	v11 =	vld [tilespmem:$0x7D80]  }
0xa5: {  	v12 =	vld [tilespmem:$0x7D00]  }
0xa6: {  	v13 =	vld [tilespmem:$0x8900]  }
0xa7: {  	v14 =	vld [tilespmem:$0x8880]  }
0xa8: {  	v15 =	vld [tilespmem:$0x7C80]  }
0xa9: {  	v16 =	vld [tilespmem:$0x7C00]  }
0xaa: {  	v17 =	vld [tilespmem:$0x8800]  }
0xab: {  	v18 =	vld [tilespmem:$0x8780]  }
0xac: {  	v19 =	vld [tilespmem:$0x7B80]  }
0xad: {  	v20 =	vld [tilespmem:$0x7B00]  }
0xae: {  	v21 =	vld [tilespmem:$0x8700]  }
0xaf: {  	v22 =	vld [tilespmem:$0x8680]  }
0xb0: {  	v23 =	vld [tilespmem:$0x7A80]  }
0xb1: {  	v24 =	vld [tilespmem:$0x7A00]  }
0xb2: {  	v25 =	vld [tilespmem:$0x8600]  }
0xb3: {  	v26 =	vld [tilespmem:$0x8580]  }
0xb4: {  	v27 =	vld [tilespmem:$0x6180]  }
0xb5: {  	v28 =	vld [tilespmem:$0x7900]  }
0xb6: {  	v29 =	vld [tilespmem:$0x8480]  }
0xb7: {  	v30 =	vld [tilespmem:$0x9080]  }
0xb8: {  	v31 =	vld [tilespmem:$0x7880]  }
0xb9: {  	v32 =	vld [tilespmem:$0x9100]  }
0xba: {  	v33 =	vld [tilespmem:$0x9180]  }
0xbb: {  	v34 =	vld [tilespmem:$0x6C00]  }
0xbc: {  	v35 =	vld [tilespmem:$0x9000]  }
0xbd: {  	v36 =	vld [tilespmem:$0x7800]  }
0xbe: {  	s23 =	sshll.u32 s20, $0x7;
	v37 =	vld [tilespmem:$0x6100]  }
0xbf: {  	s23 =	sand.u32 $0x3FFFFC00, s23;
	s19 =	sand.u32 $0x70, s22;
	v38 =	vld [tilespmem:$0x8400]  }
0xc0: {  	s23 =	sor.u32 s19, s23;
	v39 =	vld [tilespmem:$0x6000]  }
0xc1: {  	v40 =	vld [tilespmem:s23+$0x0]  }
0xc2: {  	v41 =	vld [tilespmem:s23+$0x100]  }
0xc3: {  	v42 =	vld [tilespmem:s23+$0x80]  }
0xc4: {  	v43 =	vld [tilespmem:$0x6C80]  }
0xc5: {  	v44 =	vld [tilespmem:$0x6080]  }
0xc6: {  	v39 =	vmul.f32 v39, v40;
	v45 =	vld [tilespmem:$0x6D00];
	v38 =	vmul.f32 v38, v40  }
0xc7: {  	v36 =	vmul.f32 v36, v40;
	v37 =	vmul.f32 v37, v41;
	v46 =	vld [tilespmem:$0x8500]  }
0xc8: {  	v34 =	vmul.f32 v34, v40;
	v47 =	vld [tilespmem:s23+$0x180];
	v35 =	vadd.f32 v39, v35;
	v33 =	vadd.f32 v38, v33  }
0xc9: {  	v32 =	vadd.f32 v36, v32;
	v31 =	vmul.f32 v31, v42;
	v38 =	vmul.f32 v43, v42;
	v36 =	vld [tilespmem:$0x7980]  }
0xca: {  	v30 =	vadd.f32 v34, v30;
	v29 =	vmul.f32 v29, v42;
	v39 =	vmul.f32 v44, v42;
	v34 =	vld [tilespmem:$0x6D80]  }
0xcb: {  	v28 =	vmul.f32 v28, v41;
	v31 =	vadd.f32 v31, v32;
	v40 =	vld [tilespmem:s23+$0x200];
	v42 =	vmul.f32 v45, v41  }
0xcc: {  	v29 =	vadd.f32 v29, v33;
	v32 =	vadd.f32 v39, v35;
	v35 =	vld [tilespmem:$0x6E00];
	v33 =	vmul.f32 v46, v41  }
0xcd: {  	v30 =	vadd.f32 v38, v30;
	v28 =	vadd.f32 v28, v31;
	v27 =	vmul.f32 v27, v47;
	v39 =	vld [tilespmem:$0x6200]  }
0xce: {  	v31 =	vld [tilespmem:s23+$0x280];
	v32 =	vadd.f32 v37, v32;
	v36 =	vmul.f32 v36, v47;
	v29 =	vadd.f32 v33, v29  }
0xcf: {  	v30 =	vadd.f32 v42, v30;
	v26 =	vmul.f32 v26, v47;
	v33 =	vld [tilespmem:$0x6280];
	v34 =	vmul.f32 v34, v47  }
0xd0: {  	v27 =	vadd.f32 v27, v32;
	v32 =	vld [tilespmem:$0x6E80];
	v28 =	vadd.f32 v36, v28;
	v25 =	vmul.f32 v25, v40  }
0xd1: {  	v26 =	vadd.f32 v26, v29;
	v36 =	vld [tilespmem:s23+$0x300];
	v30 =	vadd.f32 v34, v30;
	v34 =	vmul.f32 v35, v40  }
0xd2: {  	v24 =	vmul.f32 v24, v40;
	v29 =	vmul.f32 v39, v40;
	v35 =	vld [tilespmem:$0x6F00]  }
0xd3: {  	v25 =	vadd.f32 v25, v26;
	v37 =	vld [tilespmem:$0x6300];
	v30 =	vadd.f32 v34, v30;
	v23 =	vmul.f32 v23, v31  }
0xd4: {  	v24 =	vadd.f32 v24, v28;
	v26 =	vld [tilespmem:s23+$0x380];
	v27 =	vadd.f32 v29, v27;
	v29 =	vmul.f32 v33, v31  }
0xd5: {  	v22 =	vmul.f32 v22, v31;
	v28 =	vld [tilespmem:$0x6380];
	v32 =	vmul.f32 v32, v31  }
0xd6: {  	v23 =	vadd.f32 v23, v24;
	v27 =	vadd.f32 v29, v27;
	v29 =	vld [tilespmem:$0x6F80];
	v21 =	vmul.f32 v21, v36  }
0xd7: {  	v22 =	vadd.f32 v22, v25;
	v24 =	vld [tilespmem:s23+$0x2000];
	v30 =	vadd.f32 v32, v30;
	v31 =	vmul.f32 v35, v36  }
0xd8: {  	v20 =	vmul.f32 v20, v36;
	v25 =	vmul.f32 v37, v36;
	v32 =	vld [tilespmem:$0x7000]  }
0xd9: {  	v21 =	vadd.f32 v21, v22;
	v33 =	vld [tilespmem:$0x6400];
	v30 =	vadd.f32 v31, v30;
	v19 =	vmul.f32 v19, v26  }
0xda: {  	v20 =	vadd.f32 v20, v23;
	v22 =	vld [tilespmem:s23+$0x2080];
	v25 =	vadd.f32 v25, v27;
	v27 =	vmul.f32 v28, v26  }
0xdb: {  	v18 =	vmul.f32 v18, v26;
	v23 =	vld [tilespmem:$0x6480];
	v28 =	vmul.f32 v29, v26  }
0xdc: {  	v19 =	vadd.f32 v19, v20;
	v25 =	vadd.f32 v27, v25;
	v26 =	vld [tilespmem:$0x7080];
	v17 =	vmul.f32 v17, v24  }
0xdd: {  	v18 =	vadd.f32 v18, v21;
	v20 =	vld [tilespmem:s23+$0x2100];
	v27 =	vadd.f32 v28, v30;
	v28 =	vmul.f32 v32, v24  }
0xde: {  	v16 =	vmul.f32 v16, v24;
	v21 =	vmul.f32 v33, v24;
	v29 =	vld [tilespmem:$0x7100]  }
0xdf: {  	v17 =	vadd.f32 v17, v18;
	v24 =	vld [tilespmem:$0x6500];
	v27 =	vadd.f32 v28, v27;
	v15 =	vmul.f32 v15, v22  }
0xe0: {  	v16 =	vadd.f32 v16, v19;
	v18 =	vld [tilespmem:s23+$0x2180];
	v21 =	vadd.f32 v21, v25;
	v23 =	vmul.f32 v23, v22  }
0xe1: {  	v14 =	vmul.f32 v14, v22;
	v19 =	vld [tilespmem:$0x6580];
	v25 =	vmul.f32 v26, v22  }
0xe2: {  	v15 =	vadd.f32 v15, v16;
	v21 =	vadd.f32 v23, v21;
	v22 =	vld [tilespmem:$0x7180];
	v13 =	vmul.f32 v13, v20  }
0xe3: {  	v14 =	vadd.f32 v14, v17;
	v16 =	vld [tilespmem:s23+$0x2200];
	v23 =	vadd.f32 v25, v27;
	v25 =	vmul.f32 v29, v20  }
0xe4: {  	v12 =	vmul.f32 v12, v20;
	v17 =	vmul.f32 v24, v20;
	v24 =	vld [tilespmem:$0x7200]  }
0xe5: {  	v13 =	vadd.f32 v13, v14;
	v20 =	vld [tilespmem:$0x6600];
	v23 =	vadd.f32 v25, v23;
	v11 =	vmul.f32 v11, v18  }
0xe6: {  	v12 =	vadd.f32 v12, v15;
	v14 =	vld [tilespmem:s23+$0x2280];
	v17 =	vadd.f32 v17, v21;
	v19 =	vmul.f32 v19, v18  }
0xe7: {  	v10 =	vmul.f32 v10, v18;
	v15 =	vld [tilespmem:$0x6680];
	v21 =	vmul.f32 v22, v18  }
0xe8: {  	v11 =	vadd.f32 v11, v12;
	v17 =	vadd.f32 v19, v17;
	v18 =	vld [tilespmem:$0x7280];
	v9 =	vmul.f32 v9, v16  }
0xe9: {  	v10 =	vadd.f32 v10, v13;
	v12 =	vld [tilespmem:s23+$0x2300];
	v19 =	vadd.f32 v21, v23;
	v21 =	vmul.f32 v24, v16  }
0xea: {  	v8 =	vmul.f32 v8, v16;
	v13 =	vmul.f32 v20, v16;
	v20 =	vld [tilespmem:$0x7300]  }
0xeb: {  	v9 =	vadd.f32 v9, v10;
	v16 =	vld [tilespmem:$0x6700];
	v19 =	vadd.f32 v21, v19;
	v7 =	vmul.f32 v7, v14  }
0xec: {  	v8 =	vadd.f32 v8, v11;
	v10 =	vld [tilespmem:s23+$0x2380];
	v13 =	vadd.f32 v13, v17;
	v15 =	vmul.f32 v15, v14  }
0xed: {  	v6 =	vmul.f32 v6, v14;
	v11 =	vld [tilespmem:$0x6780];
	v17 =	vmul.f32 v18, v14  }
0xee: {  	v7 =	vadd.f32 v7, v8;
	v13 =	vadd.f32 v15, v13;
	v14 =	vld [tilespmem:$0x7380];
	v5 =	vmul.f32 v5, v12  }
0xef: {  	v6 =	vadd.f32 v6, v9;
	v8 =	vld [tilespmem:s23+$0x4000];
	v15 =	vadd.f32 v17, v19;
	v17 =	vmul.f32 v20, v12  }
0xf0: {  	v4 =	vmul.f32 v4, v12;
	v9 =	vmul.f32 v16, v12;
	v16 =	vld [tilespmem:$0x7400]  }
0xf1: {  	v5 =	vadd.f32 v5, v6;
	v12 =	vld [tilespmem:$0x6800];
	v15 =	vadd.f32 v17, v15;
	v3 =	vmul.f32 v3, v10  }
0xf2: {  	v4 =	vadd.f32 v4, v7;
	v6 =	vadd.f32 v9, v13;
	v9 =	vmul.f32 v11, v10  }
0xf3: {  	v2 =	vmul.f32 v2, v10;
	v7 =	vmul.f32 v14, v10  }
0xf4: {  	v3 =	vadd.f32 v3, v4;
	v6 =	vadd.f32 v9, v6;
	v1 =	vmul.f32 v1, v8  }
0xf5: {  	v2 =	vadd.f32 v2, v5;
	v4 =	vadd.f32 v7, v15;
	v7 =	vmul.f32 v16, v8  }
0xf6: {  	v0 =	vmul.f32 v0, v8;
	v5 =	vmul.f32 v12, v8  }
0xf7: {  	v1 =	vadd.f32 v1, v2;
	v4 =	vadd.f32 v7, v4  }
0xf8: {  	v0 =	vadd.f32 v0, v3;
	v2 =	vadd.f32 v5, v6;
	_ =	sdelay $0x1  }
0xf9: {  	v5 =	vmax.f32 v0, v1;
	v3 =	vmax.f32 v2, v4  }
0xfa: {  	v3 =	vmax.f32 v3, v5  }
0xfb: {  	v2 =	vsub.f32 v2, v3;
	v4 =	vsub.f32 v4, v3  }
0xfc: {  	v0 =	vsub.f32 v0, v3;
	v1 =	vsub.f32 v1, v3  }
0xfd: {  	v2 =	vmul.f32 $1.442695020e+00, v2;
	v3 =	vmul.f32 $1.442695020e+00, v4  }
0xfe: {  	v0 =	vmul.f32 $1.442695020e+00, v0;
	v1 =	vmul.f32 $1.442695020e+00, v1  }
0xff: {  	(erf) = vpow2.f32 v2  }
0x100: {  	(erf) = vpow2.f32 v3;
	_ =	sdelay $0x1  }
0x101: {  	(erf) = vpow2.f32 v0;
	_ =	sdelay $0x1  }
0x102: {  	(erf) = vpow2.f32 v1;
	_ =	sdelay $0x1  }
.Ltmp0:
0x103: {  	(pc) =	sbr.rel @p0 .LBB2_2-.Ltmp0, $4  }
0x104: {  	_ = 	snop  }
0x105: {  	v0 =	vpop (erf)  }
0x106: {  	v1 =	vpop (erf)  }
0x107: {  	v2 =	vadd.f32 v1, v0  }
0x108: {  	v3 =	vpop (erf)  }
0x109: {  	v2 =	vadd.f32 v2, v3  }
0x10a: {  	v4 =	vpop (erf)  }
0x10b: {  	v2 =	vadd.f32 v2, v4;
	_ =	sdelay $0x1  }
0x10c: {  	(erf) = vrcp.f32 v2;
	_ =	sdelay $0x8  }
0x10d: {  	s20 =	sshll.u32 s20, $0x6;
	v2 =	vpop (erf)  }
0x10e: {  	s20 =	sand.u32 $0x3FFFFE00, s20;
	v0 =	vmul.f32 v2, v0  }
0x10f: {  	s19 =	sor.u32 s19, s20;
	v1 =	vmul.f32 v2, v1  }
0x110: {  	v3 =	vmul.f32 v2, v3;
	[tilespmem:s19+$0x9200] =	vst v0  }
0x111: {  	s18 =	sadd.s32 $0x1, s18;
	v63 =	vmul.f32 v2, v4;
	[tilespmem:s19+$0x9280] =	vst v1  }
0x112: {  	p0 =	sne.s32 s18, s7;
	[tilespmem:s19+$0x9300] =	vst v3  }
.Ltmp1:
0x113: {  	[tilespmem:s19+$0x9380] =	vst v63;
	(pc) =	sbr.rel @p0 .LBB2_1-.Ltmp1, $4  }
0x114: {  	[hbm4b:s6+s2] =	stream.linear.scatter [tilespmem:s17], [sflag:$0x1], $0x1000, $0x38;
	[tilespmem:$0xA200] =	vst v63  }
0x115: {  	_ =	swait.ge [sflag:s11], $0x1000  }
0x116: {  	[sflag:s11] =	ssyncset.done $0x0  }
0x117: {  	[sflag:s11] =	ssyncadd.s32 $0xFFFFF000  }
0x118: {  	_ =	sfence.sel $0x180000  }
0x119: {  	[bflag:$0x0] =	sbarrier.arrive $0xFFFF  }
0x11a: {  	p0 =	sne.s32 s0, $0x0;
	_ =	strace $0x90000047  }
0x11b: {  	s0 =	sadd.s32 @!p0 $0x100000, s1;
	[bflag:$0x2] =	sbarrier.arrive $0xFFFF  }
0x11c: {  	[sflag:s0] =	ssyncadd.tile.s32 @!p0 $0x1;
	_ =	shalt  }
.Lfunc_end2:
_tile_overlayer_lowered:
.L_overlay_start_2:
0x11d: {  	(tag) =	ssettag $0x2  }
0x11e: {  	s0 =	rddreg [dreg:$0x0];
	s2 =	stileid.u32  }
0x11f: {  	s1 =	rddreg [dreg:$0x1];
	p0 =	sne.s32 s2, $0x0  }
0x120: {  	s3 =	rddreg [dreg:$0x2];
	[bflag:$0x3] =	sbarrier.arrive $0xFFFF;
	s2 =	simm.s32 @!p0 $0x1C01  }
0x121: {  	[timem:s3], [sflag:s2] =	dma.local @!p0 [hbm:s0], s1  }
0x122: {  	s0 =	simm.s32 @!p0 $0x1  }
0x123: {  	_ =	swait.ge @!p0 [sflag:s0], s1  }
0x124: {  	s1 =	ssub.s32 @!p0 $0x0, s1;
	[sflag:s0] =	ssyncset.done @!p0 $0x0  }
0x125: {  	[sflag:s0] =	ssyncadd.s32 @!p0 s1  }
0x126: {  	[bflag:$0x3] =	sbarrier.arrive $0xFFFF  }
0x127: {  	_ =	shalt  }

</sc_bundles>
